<compile_context>
chip_gen: v7x
topology: tpu7x:2x2x1
jax: 0.10.2.dev20260603
libtpu: 0.0.44.dev20260713+nightly
codegen_flags: <defaults>
</compile_context>

<pallas_src>
import functools

import jax
import jax.numpy as jnp
from jax import lax
from jax.experimental import pallas as pl
from jax.experimental.pallas import tpu as pltpu
import jax.experimental.pallas.tpu_sc as plsc

K = 16
KP1 = 17


_TOPK_ROWS = 512


def _topk_body(pts_ref, ptile_ref, out_ref):
    b = pl.program_id(0)
    t = pl.program_id(1)
    pT = pts_ref[0]
    ptile = ptile_ref[0]
    n = pT.shape[1]
    r = ptile.shape[1]

    ones = jnp.ones((3, 1), dtype=jnp.float32)
    dn = (((0,), (0,)), ((), ()))
    prec = lax.Precision.HIGHEST
    r_tile = lax.dot_general(ptile * ptile, ones, dn, precision=prec)
    r_all = lax.dot_general(ones, pT * pT, dn, precision=prec)
    cross = lax.dot_general(ptile, pT, dn, precision=lax.Precision.DEFAULT)
    d = jnp.abs(r_tile - 2.0 * cross + r_all)

    inf = jnp.float32(jnp.inf)
    iota = lax.broadcasted_iota(jnp.int32, (r, n), 1)
    cols = []
    for step in range(KP1):
        am = jnp.argmin(d, axis=1).astype(jnp.int32)[:, None]
        if step > 0:
            cols.append(am)
        d = jnp.where(iota == am, inf, d)
    out_ref[0] = jnp.concatenate(cols, axis=1) + b * n


def _topk_call(pts_t):
    bsz, _, n = pts_t.shape
    grid = (bsz, n // _TOPK_ROWS)
    return pl.pallas_call(
        _topk_body,
        grid=grid,
        in_specs=[
            pl.BlockSpec((1, 3, n), lambda b, t: (b, 0, 0)),
            pl.BlockSpec((1, 3, _TOPK_ROWS), lambda b, t: (b, 0, t)),
        ],
        out_specs=pl.BlockSpec((1, _TOPK_ROWS, K), lambda b, t: (b, t, 0)),
        out_shape=jax.ShapeDtypeStruct((bsz, n, K), jnp.int32),
    )(pts_t, pts_t)



_NC, _NS = 2, 16
_NW = _NC * _NS
_CH = 128


def _gather_body(table_hbm, idx_hbm, out_hbm, idx_v, rows_v, sem):
    wid = lax.axis_index("s") * _NC + lax.axis_index("c")
    nch = idx_v.shape[0]
    pltpu.sync_copy(idx_hbm.at[wid], idx_v)

    def chunk(j, carry):
        pltpu.async_copy(table_hbm.at[idx_v.at[j]], rows_v, sem).wait()
        pltpu.sync_copy(rows_v, out_hbm.at[wid, j])
        return carry

    lax.fori_loop(0, nch, chunk, 0)


def _gather_call(table, gidx):
    tot = gidx.shape[0]
    d = table.shape[1]
    nch = tot // (_NW * _CH)
    mesh = plsc.VectorSubcoreMesh(core_axis_name="c", subcore_axis_name="s")
    f = pl.kernel(
        _gather_body,
        out_type=jax.ShapeDtypeStruct((_NW, nch, _CH, d), table.dtype),
        mesh=mesh,
        scratch_types=[
            pltpu.VMEM((nch, _CH), jnp.int32),
            pltpu.VMEM((_CH, d), table.dtype),
            pltpu.SemaphoreType.DMA,
        ],
    )
    out = f(table, gidx.reshape(_NW, nch, _CH))
    return out.reshape(tot, d)



_MLP_ROWS = 256


def _mlp_body(knnf_ref, feats_ref, w1p_ref, w1d_ref, b1_ref, w2_ref, b2_ref,
              out_ref):
    r = feats_ref.shape[0]
    dproj = out_ref.shape[1]
    prec = lax.Precision.DEFAULT
    c = jnp.dot(feats_ref[...], w1d_ref[...], precision=prec,
                preferred_element_type=jnp.float32) + b1_ref[...]
    h = jnp.dot(knnf_ref[...], w1p_ref[...],
                precision=prec, preferred_element_type=jnp.float32)
    h = h.reshape(r, K, h.shape[1]) + c[:, None, :]
    h = h.reshape(r * K, h.shape[2])
    h1 = _gelu(h)
    h2 = _gelu(jnp.dot(h1, w2_ref[...], precision=prec,
                       preferred_element_type=jnp.float32) + b2_ref[...])
    out_ref[...] = jnp.sum(h2.reshape(r, K, dproj), axis=1) * (1.0 / K)


def _gelu(x):
    return 0.5 * x * (1.0 + lax.erf(x * 0.7071067811865476))


def _mlp_call(knnf, feats, w1p, w1d, b1, w2, b2):
    p, dfeat = feats.shape
    grid = (p // _MLP_ROWS,)
    return pl.pallas_call(
        _mlp_body,
        grid=grid,
        in_specs=[
            pl.BlockSpec((_MLP_ROWS * K, dfeat), lambda s: (s, 0)),
            pl.BlockSpec((_MLP_ROWS, dfeat), lambda s: (s, 0)),
            pl.BlockSpec(w1p.shape, lambda s: (0, 0)),
            pl.BlockSpec(w1d.shape, lambda s: (0, 0)),
            pl.BlockSpec((1, b1.shape[1]), lambda s: (0, 0)),
            pl.BlockSpec(w2.shape, lambda s: (0, 0)),
            pl.BlockSpec((1, b2.shape[1]), lambda s: (0, 0)),
        ],
        out_specs=pl.BlockSpec((_MLP_ROWS, 128), lambda s: (s, 0)),
        out_shape=jax.ShapeDtypeStruct((p, 128), jnp.float32),
    )(knnf, feats, w1p, w1d, b1, w2, b2)




def kernel(points, features, W1, b1, W2, b2):
    bsz, n, _ = points.shape
    dfeat = features.shape[-1]
    pts_t = jnp.transpose(points, (0, 2, 1))
    b1r = b1.reshape(1, -1)
    b2r = b2.reshape(1, -1)
    w1p = W1[0:128]
    w1d = W1[128:256] - w1p
    h = bsz // 2
    outs = []
    for i in range(2):
        pts_h = pts_t[i * h:(i + 1) * h]
        feats_h = features[i * h:(i + 1) * h].reshape(h * n, dfeat)
        gidx = _topk_call(pts_h)
        knnf = _gather_call(feats_h, gidx.reshape(-1))
        outs.append(_mlp_call(knnf, feats_h, w1p, w1d, b1r, W2, b2r))
    return jnp.concatenate(outs, axis=0).reshape(bsz, n, dfeat)

# --- scband reference (transcript-rebuilt; emitter-appended) ---
"""Pipeline reference for scband-knnlayer-79010218377296 (READ-ONLY COPY).

The authoritative reference and input builder live on the scoring server;
editing this copy changes nothing except your own understanding.
"""

import jax, jax.numpy as jnp
import numpy as np

K = 16

def setup_inputs(seed: int = 0) -> dict:
    key = jax.random.key(seed)
    ks = jax.random.split(key, 6)
    points = jax.random.normal(ks[0], (8, 2048, 3), dtype=jnp.float32)
    features = jax.random.normal(ks[1], (8, 2048, 128), dtype=jnp.float32)
    # dense1: in = 2*d_feat = 256, out = 2*projection_dim = 256
    W1 = jax.random.normal(ks[2], (256, 256), dtype=jnp.float32) * 0.05
    b1 = jnp.zeros((256,), dtype=jnp.float32)
    # dense2: in = 256, out = projection_dim = 128
    W2 = jax.random.normal(ks[3], (256, 128), dtype=jnp.float32) * 0.05
    b2 = jnp.zeros((128,), dtype=jnp.float32)
    return {"points": points, "features": features, "W1": W1, "b1": b1, "W2": W2, "b2": b2}

def reference(points, features, W1, b1, W2, b2):
    # pairwise squared distances: |x|^2 - 2 x.y + |y|^2
    r = jnp.sum(points * points, axis=-1, keepdims=True)            # [B, N, 1]
    m = jnp.matmul(points, jnp.swapaxes(points, 1, 2))              # [B, N, N]
    D = jnp.abs(r - 2.0 * m + jnp.swapaxes(r, 1, 2))                # [B, N, N]
    # K+1 nearest (including self), drop self
    _, idx = jax.lax.top_k(-D, K + 1)                               # [B, N, K+1]
    idx = idx[:, :, 1:]                                             # [B, N, K]
    # gather neighbor features per batch (equivalent of gather_nd with batch indices)
    knn_features = jax.vmap(lambda f, i: f[i])(features, idx)       # [B, N, K, d]
    center = jnp.broadcast_to(features[:, :, None, :], knn_features.shape)
    local = jnp.concatenate([knn_features - center, center], axis=-1)  # [B, N, K, 2d]
    local = jax.nn.gelu(local @ W1 + b1, approximate=False)
    local = jax.nn.gelu(local @ W2 + b2, approximate=False)
    return jnp.mean(local, axis=2)                                  # [B, N, projection_dim]

if __name__ == "__main__":
    import jax
    _d = setup_inputs()
    print(jax.jit(kernel)(*tuple(_d.values())))

</pallas_src>

<mosaic_0001>
#map = affine_map<(d0, d1) -> (0, 0)>
#map1 = affine_map<(d0, d1) -> (0, 0, 0)>
#map2 = affine_map<(d0, d1) -> (0, 0, 0, 0)>
module attributes {stable_mosaic.version = 14 : i64} {
  func.func @_gather_body(%arg0: i32, %arg1: i32, %arg2: memref<8192x128xf32, #tpu.memory_space<hbm>>, %arg3: memref<32x32x128xi32, #tpu.memory_space<hbm>>, %arg4: memref<32x32x128x128xf32, #tpu.memory_space<hbm>>, %arg5: memref<32x128xi32, #tpu.memory_space<vmem>>, %arg6: memref<128x128xf32, #tpu.memory_space<vmem>>, %arg7: memref<!tpu.dma_semaphore, #tpu.memory_space<semaphore_mem>>) attributes {dimension_semantics = [#tpu.dimension_semantics<core_parallel>, #tpu.dimension_semantics<subcore_parallel>], iteration_bounds = array<i64: 2, 16>, scalar_prefetch = 0 : i64, scratch_operands = 3 : i64, tpu.core_type = #tpu.core_type<sc_vector_subcore>, window_params = [{transform_indices = #map}, {transform_indices = #map1}, {transform_indices = #map2}]} {
    %mul3A = arith.constant 2 : i32
    %mul3A_0 = arith.muli %arg1, %mul3A : i32
    %add3A = arith.addi %mul3A_0, %arg0 : i32
    "tpu.region"() ({
      %run_scoped3A = tpu.sem_alloc : memref<!tpu.dma_semaphore, #tpu.memory_space<semaphore_mem>>
      %dma_start3A = arith.constant 0 : i32
      %dma_start3A_6 = arith.constant 0 : i32
      %dma_start3A_7 = tpu.memref_slice %arg3[%add3A, %dma_start3A, %dma_start3A_6] : memref<32x32x128xi32, #tpu.memory_space<hbm>> -> memref<1x32x128xi32, #tpu.memory_space<hbm>>
      %dma_start3A_8 = tpu.memref_squeeze %dma_start3A_7 : memref<1x32x128xi32, #tpu.memory_space<hbm>> -> memref<32x128xi32, #tpu.memory_space<hbm>>
      %dma_start3A_9 = arith.constant 0 : i32
      %dma_start3A_10 = arith.constant 0 : i32
      %dma_start3A_11 = tpu.memref_slice %arg3[%add3A, %dma_start3A_9, %dma_start3A_10] : memref<32x32x128xi32, #tpu.memory_space<hbm>> -> memref<1x32x128xi32, #tpu.memory_space<hbm>>
      %dma_start3A_12 = tpu.memref_squeeze %dma_start3A_11 : memref<1x32x128xi32, #tpu.memory_space<hbm>> -> memref<32x128xi32, #tpu.memory_space<hbm>>
      tpu.enqueue_dma source(%dma_start3A_12 : memref<32x128xi32, #tpu.memory_space<hbm>>) target(%arg5 : memref<32x128xi32, #tpu.memory_space<vmem>>) target_semaphore(%run_scoped3A : memref<!tpu.dma_semaphore, #tpu.memory_space<semaphore_mem>>)
      %dma_wait3A = arith.constant 0 : i32
      %dma_wait3A_13 = arith.constant 0 : i32
      %dma_wait3A_14 = tpu.memref_slice %arg3[%add3A, %dma_wait3A, %dma_wait3A_13] : memref<32x32x128xi32, #tpu.memory_space<hbm>> -> memref<1x32x128xi32, #tpu.memory_space<hbm>>
      %dma_wait3A_15 = tpu.memref_squeeze %dma_wait3A_14 : memref<1x32x128xi32, #tpu.memory_space<hbm>> -> memref<32x128xi32, #tpu.memory_space<hbm>>
      %dma_wait3A_16 = arith.constant 0 : i32
      %dma_wait3A_17 = arith.constant 0 : i32
      %dma_wait3A_18 = tpu.memref_slice %arg3[%add3A, %dma_wait3A_16, %dma_wait3A_17] : memref<32x32x128xi32, #tpu.memory_space<hbm>> -> memref<1x32x128xi32, #tpu.memory_space<hbm>>
      %dma_wait3A_19 = tpu.memref_squeeze %dma_wait3A_18 : memref<1x32x128xi32, #tpu.memory_space<hbm>> -> memref<32x128xi32, #tpu.memory_space<hbm>>
      tpu.wait_dma2 semaphore(%run_scoped3A : memref<!tpu.dma_semaphore, #tpu.memory_space<semaphore_mem>>) src(%dma_wait3A_19 : memref<32x128xi32, #tpu.memory_space<hbm>>) dst(%arg5 : memref<32x128xi32, #tpu.memory_space<vmem>>)
      tpu.yield
    }) : () -> ()
    %scan3A = arith.constant 0 : i32
    %scan3A_1 = arith.constant 0 : i32
    %scan3A_2 = arith.constant 32 : i32
    %scan3A_3 = arith.addi %scan3A_1, %scan3A_2 : i32
    %scan3A_4 = arith.constant 1 : i32
    scf.for %scan3A_6 = %scan3A_1 to %scan3A_3 step %scan3A_4  : i32 {
      %dma_start3A = arith.constant 0 : i32
      %dma_start3A_7 = tpu.memref_slice %arg5[%scan3A_6, %dma_start3A] : memref<32x128xi32, #tpu.memory_space<vmem>> -> memref<1x128xi32, #tpu.memory_space<vmem>>
      %dma_start3A_8 = tpu.memref_squeeze %dma_start3A_7 : memref<1x128xi32, #tpu.memory_space<vmem>> -> memref<128xi32, #tpu.memory_space<vmem>>
      %dma_start3A_9 = arith.constant 0 : i32
      %dma_start3A_10 = arith.constant 0 : i32
      %dma_start3A_11 = tpu.memref_slice %arg2[%dma_start3A_9, %dma_start3A_10] : memref<8192x128xf32, #tpu.memory_space<hbm>> -> memref<8192x128xf32, #tpu.memory_space<hbm>>
      tpu.enqueue_indirect_dma source(%dma_start3A_11 : memref<8192x128xf32, #tpu.memory_space<hbm>>) target(%arg6 : memref<128x128xf32, #tpu.memory_space<vmem>>) offsets(%dma_start3A_8 : memref<128xi32, #tpu.memory_space<vmem>>) semaphore(%arg7 : memref<!tpu.dma_semaphore, #tpu.memory_space<semaphore_mem>>)
      %dma_wait3A = arith.constant 0 : i32
      %dma_wait3A_12 = tpu.memref_slice %arg5[%scan3A_6, %dma_wait3A] : memref<32x128xi32, #tpu.memory_space<vmem>> -> memref<1x128xi32, #tpu.memory_space<vmem>>
      %dma_wait3A_13 = tpu.memref_squeeze %dma_wait3A_12 : memref<1x128xi32, #tpu.memory_space<vmem>> -> memref<128xi32, #tpu.memory_space<vmem>>
      %dma_wait3A_14 = arith.constant 0 : i32
      %dma_wait3A_15 = arith.constant 0 : i32
      %dma_wait3A_16 = tpu.memref_slice %arg2[%dma_wait3A_14, %dma_wait3A_15] : memref<8192x128xf32, #tpu.memory_space<hbm>> -> memref<8192x128xf32, #tpu.memory_space<hbm>>
      tpu.wait_indirect_dma semaphore(%arg7 : memref<!tpu.dma_semaphore, #tpu.memory_space<semaphore_mem>>) src(%dma_wait3A_16 : memref<8192x128xf32, #tpu.memory_space<hbm>>) dst(%arg6 : memref<128x128xf32, #tpu.memory_space<vmem>>)
      "tpu.region"() ({
        %run_scoped3A = tpu.sem_alloc : memref<!tpu.dma_semaphore, #tpu.memory_space<semaphore_mem>>
        %dma_start3A_17 = arith.constant 0 : i32
        %dma_start3A_18 = arith.constant 0 : i32
        %dma_start3A_19 = tpu.memref_slice %arg4[%add3A, %scan3A_6, %dma_start3A_17, %dma_start3A_18] : memref<32x32x128x128xf32, #tpu.memory_space<hbm>> -> memref<1x1x128x128xf32, #tpu.memory_space<hbm>>
        %dma_start3A_20 = tpu.memref_squeeze %dma_start3A_19 : memref<1x1x128x128xf32, #tpu.memory_space<hbm>> -> memref<128x128xf32, #tpu.memory_space<hbm>>
        %dma_start3A_21 = arith.constant 0 : i32
        %dma_start3A_22 = arith.constant 0 : i32
        %dma_start3A_23 = tpu.memref_slice %arg4[%add3A, %scan3A_6, %dma_start3A_21, %dma_start3A_22] : memref<32x32x128x128xf32, #tpu.memory_space<hbm>> -> memref<1x1x128x128xf32, #tpu.memory_space<hbm>>
        %dma_start3A_24 = tpu.memref_squeeze %dma_start3A_23 : memref<1x1x128x128xf32, #tpu.memory_space<hbm>> -> memref<128x128xf32, #tpu.memory_space<hbm>>
        tpu.enqueue_dma source(%arg6 : memref<128x128xf32, #tpu.memory_space<vmem>>) target(%dma_start3A_24 : memref<128x128xf32, #tpu.memory_space<hbm>>) target_semaphore(%run_scoped3A : memref<!tpu.dma_semaphore, #tpu.memory_space<semaphore_mem>>)
        %dma_wait3A_25 = arith.constant 0 : i32
        %dma_wait3A_26 = arith.constant 0 : i32
        %dma_wait3A_27 = tpu.memref_slice %arg4[%add3A, %scan3A_6, %dma_wait3A_25, %dma_wait3A_26] : memref<32x32x128x128xf32, #tpu.memory_space<hbm>> -> memref<1x1x128x128xf32, #tpu.memory_space<hbm>>
        %dma_wait3A_28 = tpu.memref_squeeze %dma_wait3A_27 : memref<1x1x128x128xf32, #tpu.memory_space<hbm>> -> memref<128x128xf32, #tpu.memory_space<hbm>>
        %dma_wait3A_29 = arith.constant 0 : i32
        %dma_wait3A_30 = arith.constant 0 : i32
        %dma_wait3A_31 = tpu.memref_slice %arg4[%add3A, %scan3A_6, %dma_wait3A_29, %dma_wait3A_30] : memref<32x32x128x128xf32, #tpu.memory_space<hbm>> -> memref<1x1x128x128xf32, #tpu.memory_space<hbm>>
        %dma_wait3A_32 = tpu.memref_squeeze %dma_wait3A_31 : memref<1x1x128x128xf32, #tpu.memory_space<hbm>> -> memref<128x128xf32, #tpu.memory_space<hbm>>
        tpu.wait_dma2 semaphore(%run_scoped3A : memref<!tpu.dma_semaphore, #tpu.memory_space<semaphore_mem>>) src(%arg6 : memref<128x128xf32, #tpu.memory_space<vmem>>) dst(%dma_wait3A_32 : memref<128x128xf32, #tpu.memory_space<hbm>>)
        tpu.yield
      }) : () -> ()
    }
    %scan3A_5 = arith.constant 32 : i32
    return
  }
}

#map = affine_map<(d0, d1) -> (0, 0)>
#map1 = affine_map<(d0, d1) -> (0, 0, 0)>
#map2 = affine_map<(d0, d1) -> (0, 0, 0, 0)>
module attributes {stable_mosaic.version = 14 : i64} {
  func.func @_gather_body(%arg0: i32, %arg1: i32, %arg2: memref<8192x128xf32, #tpu.memory_space<hbm>>, %arg3: memref<32x32x128xi32, #tpu.memory_space<hbm>>, %arg4: memref<32x32x128x128xf32, #tpu.memory_space<hbm>>, %arg5: memref<32x128xi32, #tpu.memory_space<vmem>>, %arg6: memref<128x128xf32, #tpu.memory_space<vmem>>, %arg7: memref<!tpu.dma_semaphore, #tpu.memory_space<semaphore_mem>>) attributes {dimension_semantics = [#tpu.dimension_semantics<core_parallel>, #tpu.dimension_semantics<subcore_parallel>], iteration_bounds = array<i64: 2, 16>, scalar_prefetch = 0 : i64, scratch_operands = 3 : i64, tpu.core_type = #tpu.core_type<sc_vector_subcore>, window_params = [{transform_indices = #map}, {transform_indices = #map1}, {transform_indices = #map2}]} {
    %mul3A = arith.constant 2 : i32
    %mul3A_0 = arith.muli %arg1, %mul3A : i32
    %add3A = arith.addi %mul3A_0, %arg0 : i32
    "tpu.region"() ({
      %run_scoped3A = tpu.sem_alloc : memref<!tpu.dma_semaphore, #tpu.memory_space<semaphore_mem>>
      %dma_start3A = arith.constant 0 : i32
      %dma_start3A_6 = arith.constant 0 : i32
      %dma_start3A_7 = tpu.memref_slice %arg3[%add3A, %dma_start3A, %dma_start3A_6] : memref<32x32x128xi32, #tpu.memory_space<hbm>> -> memref<1x32x128xi32, #tpu.memory_space<hbm>>
      %dma_start3A_8 = tpu.memref_squeeze %dma_start3A_7 : memref<1x32x128xi32, #tpu.memory_space<hbm>> -> memref<32x128xi32, #tpu.memory_space<hbm>>
      %dma_start3A_9 = arith.constant 0 : i32
      %dma_start3A_10 = arith.constant 0 : i32
      %dma_start3A_11 = tpu.memref_slice %arg3[%add3A, %dma_start3A_9, %dma_start3A_10] : memref<32x32x128xi32, #tpu.memory_space<hbm>> -> memref<1x32x128xi32, #tpu.memory_space<hbm>>
      %dma_start3A_12 = tpu.memref_squeeze %dma_start3A_11 : memref<1x32x128xi32, #tpu.memory_space<hbm>> -> memref<32x128xi32, #tpu.memory_space<hbm>>
      tpu.enqueue_dma source(%dma_start3A_12 : memref<32x128xi32, #tpu.memory_space<hbm>>) target(%arg5 : memref<32x128xi32, #tpu.memory_space<vmem>>) target_semaphore(%run_scoped3A : memref<!tpu.dma_semaphore, #tpu.memory_space<semaphore_mem>>)
      %dma_wait3A = arith.constant 0 : i32
      %dma_wait3A_13 = arith.constant 0 : i32
      %dma_wait3A_14 = tpu.memref_slice %arg3[%add3A, %dma_wait3A, %dma_wait3A_13] : memref<32x32x128xi32, #tpu.memory_space<hbm>> -> memref<1x32x128xi32, #tpu.memory_space<hbm>>
      %dma_wait3A_15 = tpu.memref_squeeze %dma_wait3A_14 : memref<1x32x128xi32, #tpu.memory_space<hbm>> -> memref<32x128xi32, #tpu.memory_space<hbm>>
      %dma_wait3A_16 = arith.constant 0 : i32
      %dma_wait3A_17 = arith.constant 0 : i32
      %dma_wait3A_18 = tpu.memref_slice %arg3[%add3A, %dma_wait3A_16, %dma_wait3A_17] : memref<32x32x128xi32, #tpu.memory_space<hbm>> -> memref<1x32x128xi32, #tpu.memory_space<hbm>>
      %dma_wait3A_19 = tpu.memref_squeeze %dma_wait3A_18 : memref<1x32x128xi32, #tpu.memory_space<hbm>> -> memref<32x128xi32, #tpu.memory_space<hbm>>
      tpu.wait_dma2 semaphore(%run_scoped3A : memref<!tpu.dma_semaphore, #tpu.memory_space<semaphore_mem>>) src(%dma_wait3A_19 : memref<32x128xi32, #tpu.memory_space<hbm>>) dst(%arg5 : memref<32x128xi32, #tpu.memory_space<vmem>>)
      tpu.yield
    }) : () -> ()
    %scan3A = arith.constant 0 : i32
    %scan3A_1 = arith.constant 0 : i32
    %scan3A_2 = arith.constant 32 : i32
    %scan3A_3 = arith.addi %scan3A_1, %scan3A_2 : i32
    %scan3A_4 = arith.constant 1 : i32
    scf.for %scan3A_6 = %scan3A_1 to %scan3A_3 step %scan3A_4  : i32 {
      %dma_start3A = arith.constant 0 : i32
      %dma_start3A_7 = tpu.memref_slice %arg5[%scan3A_6, %dma_start3A] : memref<32x128xi32, #tpu.memory_space<vmem>> -> memref<1x128xi32, #tpu.memory_space<vmem>>
      %dma_start3A_8 = tpu.memref_squeeze %dma_start3A_7 : memref<1x128xi32, #tpu.memory_space<vmem>> -> memref<128xi32, #tpu.memory_space<vmem>>
      %dma_start3A_9 = arith.constant 0 : i32
      %dma_start3A_10 = arith.constant 0 : i32
      %dma_start3A_11 = tpu.memref_slice %arg2[%dma_start3A_9, %dma_start3A_10] : memref<8192x128xf32, #tpu.memory_space<hbm>> -> memref<8192x128xf32, #tpu.memory_space<hbm>>
      tpu.enqueue_indirect_dma source(%dma_start3A_11 : memref<8192x128xf32, #tpu.memory_space<hbm>>) target(%arg6 : memref<128x128xf32, #tpu.memory_space<vmem>>) offsets(%dma_start3A_8 : memref<128xi32, #tpu.memory_space<vmem>>) semaphore(%arg7 : memref<!tpu.dma_semaphore, #tpu.memory_space<semaphore_mem>>)
      %dma_wait3A = arith.constant 0 : i32
      %dma_wait3A_12 = tpu.memref_slice %arg5[%scan3A_6, %dma_wait3A] : memref<32x128xi32, #tpu.memory_space<vmem>> -> memref<1x128xi32, #tpu.memory_space<vmem>>
      %dma_wait3A_13 = tpu.memref_squeeze %dma_wait3A_12 : memref<1x128xi32, #tpu.memory_space<vmem>> -> memref<128xi32, #tpu.memory_space<vmem>>
      %dma_wait3A_14 = arith.constant 0 : i32
      %dma_wait3A_15 = arith.constant 0 : i32
      %dma_wait3A_16 = tpu.memref_slice %arg2[%dma_wait3A_14, %dma_wait3A_15] : memref<8192x128xf32, #tpu.memory_space<hbm>> -> memref<8192x128xf32, #tpu.memory_space<hbm>>
      tpu.wait_indirect_dma semaphore(%arg7 : memref<!tpu.dma_semaphore, #tpu.memory_space<semaphore_mem>>) src(%dma_wait3A_16 : memref<8192x128xf32, #tpu.memory_space<hbm>>) dst(%arg6 : memref<128x128xf32, #tpu.memory_space<vmem>>)
      "tpu.region"() ({
        %run_scoped3A = tpu.sem_alloc : memref<!tpu.dma_semaphore, #tpu.memory_space<semaphore_mem>>
        %dma_start3A_17 = arith.constant 0 : i32
        %dma_start3A_18 = arith.constant 0 : i32
        %dma_start3A_19 = tpu.memref_slice %arg4[%add3A, %scan3A_6, %dma_start3A_17, %dma_start3A_18] : memref<32x32x128x128xf32, #tpu.memory_space<hbm>> -> memref<1x1x128x128xf32, #tpu.memory_space<hbm>>
        %dma_start3A_20 = tpu.memref_squeeze %dma_start3A_19 : memref<1x1x128x128xf32, #tpu.memory_space<hbm>> -> memref<128x128xf32, #tpu.memory_space<hbm>>
        %dma_start3A_21 = arith.constant 0 : i32
        %dma_start3A_22 = arith.constant 0 : i32
        %dma_start3A_23 = tpu.memref_slice %arg4[%add3A, %scan3A_6, %dma_start3A_21, %dma_start3A_22] : memref<32x32x128x128xf32, #tpu.memory_space<hbm>> -> memref<1x1x128x128xf32, #tpu.memory_space<hbm>>
        %dma_start3A_24 = tpu.memref_squeeze %dma_start3A_23 : memref<1x1x128x128xf32, #tpu.memory_space<hbm>> -> memref<128x128xf32, #tpu.memory_space<hbm>>
        tpu.enqueue_dma source(%arg6 : memref<128x128xf32, #tpu.memory_space<vmem>>) target(%dma_start3A_24 : memref<128x128xf32, #tpu.memory_space<hbm>>) target_semaphore(%run_scoped3A : memref<!tpu.dma_semaphore, #tpu.memory_space<semaphore_mem>>)
        %dma_wait3A_25 = arith.constant 0 : i32
        %dma_wait3A_26 = arith.constant 0 : i32
        %dma_wait3A_27 = tpu.memref_slice %arg4[%add3A, %scan3A_6, %dma_wait3A_25, %dma_wait3A_26] : memref<32x32x128x128xf32, #tpu.memory_space<hbm>> -> memref<1x1x128x128xf32, #tpu.memory_space<hbm>>
        %dma_wait3A_28 = tpu.memref_squeeze %dma_wait3A_27 : memref<1x1x128x128xf32, #tpu.memory_space<hbm>> -> memref<128x128xf32, #tpu.memory_space<hbm>>
        %dma_wait3A_29 = arith.constant 0 : i32
        %dma_wait3A_30 = arith.constant 0 : i32
        %dma_wait3A_31 = tpu.memref_slice %arg4[%add3A, %scan3A_6, %dma_wait3A_29, %dma_wait3A_30] : memref<32x32x128x128xf32, #tpu.memory_space<hbm>> -> memref<1x1x128x128xf32, #tpu.memory_space<hbm>>
        %dma_wait3A_32 = tpu.memref_squeeze %dma_wait3A_31 : memref<1x1x128x128xf32, #tpu.memory_space<hbm>> -> memref<128x128xf32, #tpu.memory_space<hbm>>
        tpu.wait_dma2 semaphore(%run_scoped3A : memref<!tpu.dma_semaphore, #tpu.memory_space<semaphore_mem>>) src(%arg6 : memref<128x128xf32, #tpu.memory_space<vmem>>) dst(%dma_wait3A_32 : memref<128x128xf32, #tpu.memory_space<hbm>>)
        tpu.yield
      }) : () -> ()
    }
    %scan3A_5 = arith.constant 32 : i32
    return
  }
}

module attributes {stable_mosaic.version = 14 : i64} {
  func.func @_topk_body(%arg0: i32, %arg1: i32, %arg2: memref<1x3x2048xf32, #tpu.memory_space<vmem>>, %arg3: memref<1x3x512xf32, #tpu.memory_space<vmem>>, %arg4: memref<1x512x16xi32, #tpu.memory_space<vmem>>) attributes {dimension_semantics = [#tpu.dimension_semantics<arbitrary>, #tpu.dimension_semantics<arbitrary>], iteration_bounds = array<i64: 4, 4>, scalar_prefetch = 0 : i64, scratch_operands = 0 : i64, tpu.core_type = #tpu.core_type<tc>, window_params = [{transform_indices = @transform_0, window_bounds = array<i64: 1, 3, 2048>}, {transform_indices = @transform_1, window_bounds = array<i64: 1, 3, 512>}, {transform_indices = @transform_2, window_bounds = array<i64: 1, 512, 16>}]} {
    %get3A = arith.constant 0 : index
    %get3A_0 = arith.constant 0 : index
    %get3A_1 = arith.constant 0 : index
    %get3A_2 = vector.load %arg2[%get3A, %get3A_0, %get3A_1] : memref<1x3x2048xf32, #tpu.memory_space<vmem>>, vector<1x3x2048xf32>
    %get3A_3 = vector.shape_cast %get3A_2 : vector<1x3x2048xf32> to vector<3x2048xf32>
    %get3A_4 = arith.constant 0 : index
    %get3A_5 = arith.constant 0 : index
    %get3A_6 = arith.constant 0 : index
    %get3A_7 = vector.load %arg3[%get3A_4, %get3A_5, %get3A_6] : memref<1x3x512xf32, #tpu.memory_space<vmem>>, vector<1x3x512xf32>
    %get3A_8 = vector.shape_cast %get3A_7 : vector<1x3x512xf32> to vector<3x512xf32>
    %broadcast_in_dim3A = arith.constant 1.000000e+00 : f32
    %broadcast_in_dim3A_9 = vector.broadcast %broadcast_in_dim3A : f32 to vector<3x1xf32>
    %mul3A = arith.mulf %get3A_8, %get3A_8 : vector<3x512xf32>
    %dot_general3A = arith.constant dense<0.000000e+00> : vector<512x1xf32>
    %dot_general3A_10 = tpu.matmul %mul3A, %broadcast_in_dim3A_9, %dot_general3A {dimension_numbers = #tpu.dot_dimension_numbers<[0], [0], [1], [1], [0, 1, 1, 1], [], []>, precision = #tpu.contract_precision<fp32>, transpose_lhs_hint = false} : vector<3x512xf32>, vector<3x1xf32>, vector<512x1xf32> -> vector<512x1xf32>
    %mul3A_11 = arith.mulf %get3A_3, %get3A_3 : vector<3x2048xf32>
    %dot_general3A_12 = arith.constant dense<0.000000e+00> : vector<1x2048xf32>
    %dot_general3A_13 = tpu.matmul %broadcast_in_dim3A_9, %mul3A_11, %dot_general3A_12 {dimension_numbers = #tpu.dot_dimension_numbers<[0], [0], [1], [1], [0, 1, 1, 1], [], []>, precision = #tpu.contract_precision<fp32>, transpose_lhs_hint = false} : vector<3x1xf32>, vector<3x2048xf32>, vector<1x2048xf32> -> vector<1x2048xf32>
    %dot_general3A_14 = arith.constant dense<0.000000e+00> : vector<512x2048xf32>
    %dot_general3A_15 = tpu.matmul %get3A_8, %get3A_3, %dot_general3A_14 {dimension_numbers = #tpu.dot_dimension_numbers<[0], [0], [1], [1], [0, 1, 1, 1], [], []>, transpose_lhs_hint = false} : vector<3x512xf32>, vector<3x2048xf32>, vector<512x2048xf32> -> vector<512x2048xf32>
    %mul3A_16 = arith.constant 2.000000e+00 : f32
    %mul3A_17 = vector.broadcast %mul3A_16 : f32 to vector<512x2048xf32>
    %mul3A_18 = arith.mulf %mul3A_17, %dot_general3A_15 : vector<512x2048xf32>
    %sub3A = vector.broadcast %dot_general3A_10 : vector<512x1xf32> to vector<512x2048xf32>
    %sub3A_19 = arith.subf %sub3A, %mul3A_18 : vector<512x2048xf32>
    %add3A = vector.broadcast %dot_general3A_13 : vector<1x2048xf32> to vector<512x2048xf32>
    %add3A_20 = arith.addf %sub3A_19, %add3A : vector<512x2048xf32>
    %abs3A = math.absf %add3A_20 : vector<512x2048xf32>
    %iota3A = tpu.iota {dimensions = array<i32: 1>} : vector<512x2048xi32>
    %argmin3A = tpu.reduce_index %abs3A {axis = 1 : i32, kind = #tpu.reduction_kind<arg_min>} : vector<512x2048xf32> -> vector<512xi32>
    %broadcast_in_dim3A_21 = vector.shape_cast %argmin3A : vector<512xi32> to vector<512x1xi32>
    %eq3A = vector.broadcast %broadcast_in_dim3A_21 : vector<512x1xi32> to vector<512x2048xi32>
    %eq3A_22 = arith.cmpi eq, %iota3A, %eq3A : vector<512x2048xi32>
    %jit3A = arith.constant 0x7F800000 : f32
    %broadcast_in_dim3A_23 = vector.broadcast %jit3A : f32 to vector<512x2048xf32>
    %select_n3A = arith.select %eq3A_22, %broadcast_in_dim3A_23, %abs3A : vector<512x2048xi1>, vector<512x2048xf32>
    %argmin3A_24 = tpu.reduce_index %select_n3A {axis = 1 : i32, kind = #tpu.reduction_kind<arg_min>} : vector<512x2048xf32> -> vector<512xi32>
    %broadcast_in_dim3A_25 = vector.shape_cast %argmin3A_24 : vector<512xi32> to vector<512x1xi32>
    %eq3A_26 = vector.broadcast %broadcast_in_dim3A_25 : vector<512x1xi32> to vector<512x2048xi32>
    %eq3A_27 = arith.cmpi eq, %iota3A, %eq3A_26 : vector<512x2048xi32>
    %jit3A_28 = arith.constant 0x7F800000 : f32
    %broadcast_in_dim3A_29 = vector.broadcast %jit3A_28 : f32 to vector<512x2048xf32>
    %select_n3A_30 = arith.select %eq3A_27, %broadcast_in_dim3A_29, %select_n3A : vector<512x2048xi1>, vector<512x2048xf32>
    %argmin3A_31 = tpu.reduce_index %select_n3A_30 {axis = 1 : i32, kind = #tpu.reduction_kind<arg_min>} : vector<512x2048xf32> -> vector<512xi32>
    %broadcast_in_dim3A_32 = vector.shape_cast %argmin3A_31 : vector<512xi32> to vector<512x1xi32>
    %eq3A_33 = vector.broadcast %broadcast_in_dim3A_32 : vector<512x1xi32> to vector<512x2048xi32>
    %eq3A_34 = arith.cmpi eq, %iota3A, %eq3A_33 : vector<512x2048xi32>
    %jit3A_35 = arith.constant 0x7F800000 : f32
    %broadcast_in_dim3A_36 = vector.broadcast %jit3A_35 : f32 to vector<512x2048xf32>
    %select_n3A_37 = arith.select %eq3A_34, %broadcast_in_dim3A_36, %select_n3A_30 : vector<512x2048xi1>, vector<512x2048xf32>
    %argmin3A_38 = tpu.reduce_index %select_n3A_37 {axis = 1 : i32, kind = #tpu.reduction_kind<arg_min>} : vector<512x2048xf32> -> vector<512xi32>
    %broadcast_in_dim3A_39 = vector.shape_cast %argmin3A_38 : vector<512xi32> to vector<512x1xi32>
    %eq3A_40 = vector.broadcast %broadcast_in_dim3A_39 : vector<512x1xi32> to vector<512x2048xi32>
    %eq3A_41 = arith.cmpi eq, %iota3A, %eq3A_40 : vector<512x2048xi32>
    %jit3A_42 = arith.constant 0x7F800000 : f32
    %broadcast_in_dim3A_43 = vector.broadcast %jit3A_42 : f32 to vector<512x2048xf32>
    %select_n3A_44 = arith.select %eq3A_41, %broadcast_in_dim3A_43, %select_n3A_37 : vector<512x2048xi1>, vector<512x2048xf32>
    %argmin3A_45 = tpu.reduce_index %select_n3A_44 {axis = 1 : i32, kind = #tpu.reduction_kind<arg_min>} : vector<512x2048xf32> -> vector<512xi32>
    %broadcast_in_dim3A_46 = vector.shape_cast %argmin3A_45 : vector<512xi32> to vector<512x1xi32>
    %eq3A_47 = vector.broadcast %broadcast_in_dim3A_46 : vector<512x1xi32> to vector<512x2048xi32>
    %eq3A_48 = arith.cmpi eq, %iota3A, %eq3A_47 : vector<512x2048xi32>
    %jit3A_49 = arith.constant 0x7F800000 : f32
    %broadcast_in_dim3A_50 = vector.broadcast %jit3A_49 : f32 to vector<512x2048xf32>
    %select_n3A_51 = arith.select %eq3A_48, %broadcast_in_dim3A_50, %select_n3A_44 : vector<512x2048xi1>, vector<512x2048xf32>
    %argmin3A_52 = tpu.reduce_index %select_n3A_51 {axis = 1 : i32, kind = #tpu.reduction_kind<arg_min>} : vector<512x2048xf32> -> vector<512xi32>
    %broadcast_in_dim3A_53 = vector.shape_cast %argmin3A_52 : vector<512xi32> to vector<512x1xi32>
    %eq3A_54 = vector.broadcast %broadcast_in_dim3A_53 : vector<512x1xi32> to vector<512x2048xi32>
    %eq3A_55 = arith.cmpi eq, %iota3A, %eq3A_54 : vector<512x2048xi32>
    %jit3A_56 = arith.constant 0x7F800000 : f32
    %broadcast_in_dim3A_57 = vector.broadcast %jit3A_56 : f32 to vector<512x2048xf32>
    %select_n3A_58 = arith.select %eq3A_55, %broadcast_in_dim3A_57, %select_n3A_51 : vector<512x2048xi1>, vector<512x2048xf32>
    %argmin3A_59 = tpu.reduce_index %select_n3A_58 {axis = 1 : i32, kind = #tpu.reduction_kind<arg_min>} : vector<512x2048xf32> -> vector<512xi32>
    %broadcast_in_dim3A_60 = vector.shape_cast %argmin3A_59 : vector<512xi32> to vector<512x1xi32>
    %eq3A_61 = vector.broadcast %broadcast_in_dim3A_60 : vector<512x1xi32> to vector<512x2048xi32>
    %eq3A_62 = arith.cmpi eq, %iota3A, %eq3A_61 : vector<512x2048xi32>
    %jit3A_63 = arith.constant 0x7F800000 : f32
    %broadcast_in_dim3A_64 = vector.broadcast %jit3A_63 : f32 to vector<512x2048xf32>
    %select_n3A_65 = arith.select %eq3A_62, %broadcast_in_dim3A_64, %select_n3A_58 : vector<512x2048xi1>, vector<512x2048xf32>
    %argmin3A_66 = tpu.reduce_index %select_n3A_65 {axis = 1 : i32, kind = #tpu.reduction_kind<arg_min>} : vector<512x2048xf32> -> vector<512xi32>
    %broadcast_in_dim3A_67 = vector.shape_cast %argmin3A_66 : vector<512xi32> to vector<512x1xi32>
    %eq3A_68 = vector.broadcast %broadcast_in_dim3A_67 : vector<512x1xi32> to vector<512x2048xi32>
    %eq3A_69 = arith.cmpi eq, %iota3A, %eq3A_68 : vector<512x2048xi32>
    %jit3A_70 = arith.constant 0x7F800000 : f32
    %broadcast_in_dim3A_71 = vector.broadcast %jit3A_70 : f32 to vector<512x2048xf32>
    %select_n3A_72 = arith.select %eq3A_69, %broadcast_in_dim3A_71, %select_n3A_65 : vector<512x2048xi1>, vector<512x2048xf32>
    %argmin3A_73 = tpu.reduce_index %select_n3A_72 {axis = 1 : i32, kind = #tpu.reduction_kind<arg_min>} : vector<512x2048xf32> -> vector<512xi32>
    %broadcast_in_dim3A_74 = vector.shape_cast %argmin3A_73 : vector<512xi32> to vector<512x1xi32>
    %eq3A_75 = vector.broadcast %broadcast_in_dim3A_74 : vector<512x1xi32> to vector<512x2048xi32>
    %eq3A_76 = arith.cmpi eq, %iota3A, %eq3A_75 : vector<512x2048xi32>
    %jit3A_77 = arith.constant 0x7F800000 : f32
    %broadcast_in_dim3A_78 = vector.broadcast %jit3A_77 : f32 to vector<512x2048xf32>
    %select_n3A_79 = arith.select %eq3A_76, %broadcast_in_dim3A_78, %select_n3A_72 : vector<512x2048xi1>, vector<512x2048xf32>
    %argmin3A_80 = tpu.reduce_index %select_n3A_79 {axis = 1 : i32, kind = #tpu.reduction_kind<arg_min>} : vector<512x2048xf32> -> vector<512xi32>
    %broadcast_in_dim3A_81 = vector.shape_cast %argmin3A_80 : vector<512xi32> to vector<512x1xi32>
    %eq3A_82 = vector.broadcast %broadcast_in_dim3A_81 : vector<512x1xi32> to vector<512x2048xi32>
    %eq3A_83 = arith.cmpi eq, %iota3A, %eq3A_82 : vector<512x2048xi32>
    %jit3A_84 = arith.constant 0x7F800000 : f32
    %broadcast_in_dim3A_85 = vector.broadcast %jit3A_84 : f32 to vector<512x2048xf32>
    %select_n3A_86 = arith.select %eq3A_83, %broadcast_in_dim3A_85, %select_n3A_79 : vector<512x2048xi1>, vector<512x2048xf32>
    %argmin3A_87 = tpu.reduce_index %select_n3A_86 {axis = 1 : i32, kind = #tpu.reduction_kind<arg_min>} : vector<512x2048xf32> -> vector<512xi32>
    %broadcast_in_dim3A_88 = vector.shape_cast %argmin3A_87 : vector<512xi32> to vector<512x1xi32>
    %eq3A_89 = vector.broadcast %broadcast_in_dim3A_88 : vector<512x1xi32> to vector<512x2048xi32>
    %eq3A_90 = arith.cmpi eq, %iota3A, %eq3A_89 : vector<512x2048xi32>
    %jit3A_91 = arith.constant 0x7F800000 : f32
    %broadcast_in_dim3A_92 = vector.broadcast %jit3A_91 : f32 to vector<512x2048xf32>
    %select_n3A_93 = arith.select %eq3A_90, %broadcast_in_dim3A_92, %select_n3A_86 : vector<512x2048xi1>, vector<512x2048xf32>
    %argmin3A_94 = tpu.reduce_index %select_n3A_93 {axis = 1 : i32, kind = #tpu.reduction_kind<arg_min>} : vector<512x2048xf32> -> vector<512xi32>
    %broadcast_in_dim3A_95 = vector.shape_cast %argmin3A_94 : vector<512xi32> to vector<512x1xi32>
    %eq3A_96 = vector.broadcast %broadcast_in_dim3A_95 : vector<512x1xi32> to vector<512x2048xi32>
    %eq3A_97 = arith.cmpi eq, %iota3A, %eq3A_96 : vector<512x2048xi32>
    %jit3A_98 = arith.constant 0x7F800000 : f32
    %broadcast_in_dim3A_99 = vector.broadcast %jit3A_98 : f32 to vector<512x2048xf32>
    %select_n3A_100 = arith.select %eq3A_97, %broadcast_in_dim3A_99, %select_n3A_93 : vector<512x2048xi1>, vector<512x2048xf32>
    %argmin3A_101 = tpu.reduce_index %select_n3A_100 {axis = 1 : i32, kind = #tpu.reduction_kind<arg_min>} : vector<512x2048xf32> -> vector<512xi32>
    %broadcast_in_dim3A_102 = vector.shape_cast %argmin3A_101 : vector<512xi32> to vector<512x1xi32>
    %eq3A_103 = vector.broadcast %broadcast_in_dim3A_102 : vector<512x1xi32> to vector<512x2048xi32>
    %eq3A_104 = arith.cmpi eq, %iota3A, %eq3A_103 : vector<512x2048xi32>
    %jit3A_105 = arith.constant 0x7F800000 : f32
    %broadcast_in_dim3A_106 = vector.broadcast %jit3A_105 : f32 to vector<512x2048xf32>
    %select_n3A_107 = arith.select %eq3A_104, %broadcast_in_dim3A_106, %select_n3A_100 : vector<512x2048xi1>, vector<512x2048xf32>
    %argmin3A_108 = tpu.reduce_index %select_n3A_107 {axis = 1 : i32, kind = #tpu.reduction_kind<arg_min>} : vector<512x2048xf32> -> vector<512xi32>
    %broadcast_in_dim3A_109 = vector.shape_cast %argmin3A_108 : vector<512xi32> to vector<512x1xi32>
    %eq3A_110 = vector.broadcast %broadcast_in_dim3A_109 : vector<512x1xi32> to vector<512x2048xi32>
    %eq3A_111 = arith.cmpi eq, %iota3A, %eq3A_110 : vector<512x2048xi32>
    %jit3A_112 = arith.constant 0x7F800000 : f32
    %broadcast_in_dim3A_113 = vector.broadcast %jit3A_112 : f32 to vector<512x2048xf32>
    %select_n3A_114 = arith.select %eq3A_111, %broadcast_in_dim3A_113, %select_n3A_107 : vector<512x2048xi1>, vector<512x2048xf32>
    %argmin3A_115 = tpu.reduce_index %select_n3A_114 {axis = 1 : i32, kind = #tpu.reduction_kind<arg_min>} : vector<512x2048xf32> -> vector<512xi32>
    %broadcast_in_dim3A_116 = vector.shape_cast %argmin3A_115 : vector<512xi32> to vector<512x1xi32>
    %eq3A_117 = vector.broadcast %broadcast_in_dim3A_116 : vector<512x1xi32> to vector<512x2048xi32>
    %eq3A_118 = arith.cmpi eq, %iota3A, %eq3A_117 : vector<512x2048xi32>
    %jit3A_119 = arith.constant 0x7F800000 : f32
    %broadcast_in_dim3A_120 = vector.broadcast %jit3A_119 : f32 to vector<512x2048xf32>
    %select_n3A_121 = arith.select %eq3A_118, %broadcast_in_dim3A_120, %select_n3A_114 : vector<512x2048xi1>, vector<512x2048xf32>
    %argmin3A_122 = tpu.reduce_index %select_n3A_121 {axis = 1 : i32, kind = #tpu.reduction_kind<arg_min>} : vector<512x2048xf32> -> vector<512xi32>
    %broadcast_in_dim3A_123 = vector.shape_cast %argmin3A_122 : vector<512xi32> to vector<512x1xi32>
    %eq3A_124 = vector.broadcast %broadcast_in_dim3A_123 : vector<512x1xi32> to vector<512x2048xi32>
    %eq3A_125 = arith.cmpi eq, %iota3A, %eq3A_124 : vector<512x2048xi32>
    %jit3A_126 = arith.constant 0x7F800000 : f32
    %broadcast_in_dim3A_127 = vector.broadcast %jit3A_126 : f32 to vector<512x2048xf32>
    %select_n3A_128 = arith.select %eq3A_125, %broadcast_in_dim3A_127, %select_n3A_121 : vector<512x2048xi1>, vector<512x2048xf32>
    %argmin3A_129 = tpu.reduce_index %select_n3A_128 {axis = 1 : i32, kind = #tpu.reduction_kind<arg_min>} : vector<512x2048xf32> -> vector<512xi32>
    %broadcast_in_dim3A_130 = vector.shape_cast %argmin3A_129 : vector<512xi32> to vector<512x1xi32>
    %concatenate3A = tpu.concatenate %broadcast_in_dim3A_25, %broadcast_in_dim3A_32, %broadcast_in_dim3A_39, %broadcast_in_dim3A_46, %broadcast_in_dim3A_53, %broadcast_in_dim3A_60, %broadcast_in_dim3A_67, %broadcast_in_dim3A_74, %broadcast_in_dim3A_81, %broadcast_in_dim3A_88, %broadcast_in_dim3A_95, %broadcast_in_dim3A_102, %broadcast_in_dim3A_109, %broadcast_in_dim3A_116, %broadcast_in_dim3A_123, %broadcast_in_dim3A_130 in 1 : vector<512x1xi32>, vector<512x1xi32>, vector<512x1xi32>, vector<512x1xi32>, vector<512x1xi32>, vector<512x1xi32>, vector<512x1xi32>, vector<512x1xi32>, vector<512x1xi32>, vector<512x1xi32>, vector<512x1xi32>, vector<512x1xi32>, vector<512x1xi32>, vector<512x1xi32>, vector<512x1xi32>, vector<512x1xi32> -> vector<512x16xi32>
    %mul3A_131 = arith.constant 2048 : i32
    %mul3A_132 = arith.muli %arg0, %mul3A_131 : i32
    %add3A_133 = vector.broadcast %mul3A_132 : i32 to vector<512x16xi32>
    %add3A_134 = arith.addi %concatenate3A, %add3A_133 : vector<512x16xi32>
    %swap3A = arith.constant 0 : index
    %swap3A_135 = arith.constant 0 : index
    %swap3A_136 = arith.constant 0 : index
    %swap3A_137 = vector.load %arg4[%swap3A, %swap3A_135, %swap3A_136] : memref<1x512x16xi32, #tpu.memory_space<vmem>>, vector<1x512x16xi32>
    %swap3A_138 = vector.shape_cast %swap3A_137 : vector<1x512x16xi32> to vector<512x16xi32>
    %swap3A_139 = vector.shape_cast %add3A_134 : vector<512x16xi32> to vector<1x512x16xi32>
    tpu.vector_store %arg4[%swap3A, %swap3A_135, %swap3A_136], %swap3A_139 {strides = array<i32>} : memref<1x512x16xi32, #tpu.memory_space<vmem>>, vector<1x512x16xi32>,
    return
  }
  func.func @transform_0(%arg0: i32, %arg1: i32) -> (i32, i32, i32) {
    %c0_i32 = arith.constant 0 : i32
    %c0_i32_0 = arith.constant 0 : i32
    %c0_i32_1 = arith.constant 0 : i32
    return %arg0, %c0_i32, %c0_i32_0 : i32, i32, i32
  }
  func.func @transform_1(%arg0: i32, %arg1: i32) -> (i32, i32, i32) {
    %c0_i32 = arith.constant 0 : i32
    %c0_i32_0 = arith.constant 0 : i32
    return %arg0, %c0_i32, %arg1 : i32, i32, i32
  }
  func.func @transform_2(%arg0: i32, %arg1: i32) -> (i32, i32, i32) {
    %c0_i32 = arith.constant 0 : i32
    %c0_i32_0 = arith.constant 0 : i32
    return %arg0, %arg1, %c0_i32 : i32, i32, i32
  }
}

module attributes {stable_mosaic.version = 14 : i64} {
  func.func @_mlp_body(%arg0: i32, %arg1: memref<4096x128xf32, #tpu.memory_space<vmem>>, %arg2: memref<256x128xf32, #tpu.memory_space<vmem>>, %arg3: memref<128x256xf32, #tpu.memory_space<vmem>>, %arg4: memref<128x256xf32, #tpu.memory_space<vmem>>, %arg5: memref<1x256xf32, #tpu.memory_space<vmem>>, %arg6: memref<256x128xf32, #tpu.memory_space<vmem>>, %arg7: memref<1x128xf32, #tpu.memory_space<vmem>>, %arg8: memref<256x128xf32, #tpu.memory_space<vmem>>) attributes {dimension_semantics = [#tpu.dimension_semantics<arbitrary>], iteration_bounds = array<i64: 32>, scalar_prefetch = 0 : i64, scratch_operands = 0 : i64, tpu.core_type = #tpu.core_type<tc>, window_params = [{transform_indices = @transform_0, window_bounds = array<i64: 4096, 128>}, {transform_indices = @transform_1, window_bounds = array<i64: 256, 128>}, {pipeline_mode = #tpu.pipeline_mode<synchronous>, transform_indices = @transform_2, window_bounds = array<i64: 128, 256>}, {pipeline_mode = #tpu.pipeline_mode<synchronous>, transform_indices = @transform_3, window_bounds = array<i64: 128, 256>}, {pipeline_mode = #tpu.pipeline_mode<synchronous>, transform_indices = @transform_4, window_bounds = array<i64: 1, 256>}, {pipeline_mode = #tpu.pipeline_mode<synchronous>, transform_indices = @transform_5, window_bounds = array<i64: 256, 128>}, {pipeline_mode = #tpu.pipeline_mode<synchronous>, transform_indices = @transform_6, window_bounds = array<i64: 1, 128>}, {transform_indices = @transform_7, window_bounds = array<i64: 256, 128>}]} {
    %get3A = arith.constant 0 : index
    %get3A_0 = arith.constant 0 : index
    %get3A_1 = vector.load %arg2[%get3A, %get3A_0] : memref<256x128xf32, #tpu.memory_space<vmem>>, vector<256x128xf32>
    %get3A_2 = arith.constant 0 : index
    %get3A_3 = arith.constant 0 : index
    %get3A_4 = vector.load %arg4[%get3A_2, %get3A_3] : memref<128x256xf32, #tpu.memory_space<vmem>>, vector<128x256xf32>
    %dot_general3A = arith.constant dense<0.000000e+00> : vector<256x256xf32>
    %dot_general3A_5 = tpu.matmul %get3A_1, %get3A_4, %dot_general3A {dimension_numbers = #tpu.dot_dimension_numbers<[1], [0], [0], [1], [0, 0, 1, 1], [], []>, transpose_lhs_hint = false} : vector<256x128xf32>, vector<128x256xf32>, vector<256x256xf32> -> vector<256x256xf32>
    %get3A_6 = arith.constant 0 : index
    %get3A_7 = arith.constant 0 : index
    %get3A_8 = vector.load %arg5[%get3A_6, %get3A_7] : memref<1x256xf32, #tpu.memory_space<vmem>>, vector<1x256xf32>
    %add3A = vector.broadcast %get3A_8 : vector<1x256xf32> to vector<256x256xf32>
    %add3A_9 = arith.addf %dot_general3A_5, %add3A : vector<256x256xf32>
    %get3A_10 = arith.constant 0 : index
    %get3A_11 = arith.constant 0 : index
    %get3A_12 = vector.load %arg1[%get3A_10, %get3A_11] : memref<4096x128xf32, #tpu.memory_space<vmem>>, vector<4096x128xf32>
    %get3A_13 = arith.constant 0 : index
    %get3A_14 = arith.constant 0 : index
    %get3A_15 = vector.load %arg3[%get3A_13, %get3A_14] : memref<128x256xf32, #tpu.memory_space<vmem>>, vector<128x256xf32>
    %dot_general3A_16 = arith.constant dense<0.000000e+00> : vector<4096x256xf32>
    %dot_general3A_17 = tpu.matmul %get3A_12, %get3A_15, %dot_general3A_16 {dimension_numbers = #tpu.dot_dimension_numbers<[1], [0], [0], [1], [0, 0, 1, 1], [], []>, transpose_lhs_hint = false} : vector<4096x128xf32>, vector<128x256xf32>, vector<4096x256xf32> -> vector<4096x256xf32>
    %reshape3A = vector.shape_cast %dot_general3A_17 : vector<4096x256xf32> to vector<256x16x256xf32>
    %broadcast_in_dim3A = vector.shape_cast %add3A_9 : vector<256x256xf32> to vector<256x1x256xf32>
    %add3A_18 = vector.broadcast %broadcast_in_dim3A : vector<256x1x256xf32> to vector<256x16x256xf32>
    %add3A_19 = arith.addf %reshape3A, %add3A_18 : vector<256x16x256xf32>
    %reshape3A_20 = vector.shape_cast %add3A_19 : vector<256x16x256xf32> to vector<4096x256xf32>
    %mul3A = arith.constant 5.000000e-01 : f32
    %mul3A_21 = vector.broadcast %mul3A : f32 to vector<4096x256xf32>
    %mul3A_22 = arith.mulf %mul3A_21, %reshape3A_20 : vector<4096x256xf32>
    %mul3A_23 = arith.constant 0.707106769 : f32
    %mul3A_24 = vector.broadcast %mul3A_23 : f32 to vector<4096x256xf32>
    %mul3A_25 = arith.mulf %reshape3A_20, %mul3A_24 : vector<4096x256xf32>
    %erf3A = math.erf %mul3A_25 : vector<4096x256xf32>
    %add3A_26 = arith.constant 1.000000e+00 : f32
    %add3A_27 = vector.broadcast %add3A_26 : f32 to vector<4096x256xf32>
    %add3A_28 = arith.addf %add3A_27, %erf3A : vector<4096x256xf32>
    %mul3A_29 = arith.mulf %mul3A_22, %add3A_28 : vector<4096x256xf32>
    %get3A_30 = arith.constant 0 : index
    %get3A_31 = arith.constant 0 : index
    %get3A_32 = vector.load %arg6[%get3A_30, %get3A_31] : memref<256x128xf32, #tpu.memory_space<vmem>>, vector<256x128xf32>
    %dot_general3A_33 = arith.constant dense<0.000000e+00> : vector<4096x128xf32>
    %dot_general3A_34 = tpu.matmul %mul3A_29, %get3A_32, %dot_general3A_33 {dimension_numbers = #tpu.dot_dimension_numbers<[1], [0], [0], [1], [0, 0, 1, 1], [], []>, transpose_lhs_hint = false} : vector<4096x256xf32>, vector<256x128xf32>, vector<4096x128xf32> -> vector<4096x128xf32>
    %get3A_35 = arith.constant 0 : index
    %get3A_36 = arith.constant 0 : index
    %get3A_37 = vector.load %arg7[%get3A_35, %get3A_36] : memref<1x128xf32, #tpu.memory_space<vmem>>, vector<1x128xf32>
    %add3A_38 = vector.broadcast %get3A_37 : vector<1x128xf32> to vector<4096x128xf32>
    %add3A_39 = arith.addf %dot_general3A_34, %add3A_38 : vector<4096x128xf32>
    %mul3A_40 = arith.constant 5.000000e-01 : f32
    %mul3A_41 = vector.broadcast %mul3A_40 : f32 to vector<4096x128xf32>
    %mul3A_42 = arith.mulf %mul3A_41, %add3A_39 : vector<4096x128xf32>
    %mul3A_43 = arith.constant 0.707106769 : f32
    %mul3A_44 = vector.broadcast %mul3A_43 : f32 to vector<4096x128xf32>
    %mul3A_45 = arith.mulf %add3A_39, %mul3A_44 : vector<4096x128xf32>
    %erf3A_46 = math.erf %mul3A_45 : vector<4096x128xf32>
    %add3A_47 = arith.constant 1.000000e+00 : f32
    %add3A_48 = vector.broadcast %add3A_47 : f32 to vector<4096x128xf32>
    %add3A_49 = arith.addf %add3A_48, %erf3A_46 : vector<4096x128xf32>
    %mul3A_50 = arith.mulf %mul3A_42, %add3A_49 : vector<4096x128xf32>
    %reshape3A_51 = vector.shape_cast %mul3A_50 : vector<4096x128xf32> to vector<256x16x128xf32>
    %reduce_sum3A = arith.constant dense<0.000000e+00> : vector<256x128xf32>
    %reduce_sum3A_52 = vector.multi_reduction <add>, %reshape3A_51, %reduce_sum3A [1] : vector<256x16x128xf32> to vector<256x128xf32>
    %mul3A_53 = arith.constant 6.250000e-02 : f32
    %mul3A_54 = vector.broadcast %mul3A_53 : f32 to vector<256x128xf32>
    %mul3A_55 = arith.mulf %reduce_sum3A_52, %mul3A_54 : vector<256x128xf32>
    %swap3A = arith.constant 0 : index
    %swap3A_56 = arith.constant 0 : index
    %swap3A_57 = vector.load %arg8[%swap3A, %swap3A_56] : memref<256x128xf32, #tpu.memory_space<vmem>>, vector<256x128xf32>
    tpu.vector_store %arg8[%swap3A, %swap3A_56], %mul3A_55 {strides = array<i32>} : memref<256x128xf32, #tpu.memory_space<vmem>>, vector<256x128xf32>,
    return
  }
  func.func @transform_0(%arg0: i32) -> (i32, i32) {
    %c0_i32 = arith.constant 0 : i32
    %c0_i32_0 = arith.constant 0 : i32
    return %arg0, %c0_i32 : i32, i32
  }
  func.func @transform_1(%arg0: i32) -> (i32, i32) {
    %c0_i32 = arith.constant 0 : i32
    %c0_i32_0 = arith.constant 0 : i32
    return %arg0, %c0_i32 : i32, i32
  }
  func.func @transform_2(%arg0: i32) -> (i32, i32) {
    %c0_i32 = arith.constant 0 : i32
    %c0_i32_0 = arith.constant 0 : i32
    %c0_i32_1 = arith.constant 0 : i32
    return %c0_i32, %c0_i32_0 : i32, i32
  }
  func.func @transform_3(%arg0: i32) -> (i32, i32) {
    %c0_i32 = arith.constant 0 : i32
    %c0_i32_0 = arith.constant 0 : i32
    %c0_i32_1 = arith.constant 0 : i32
    return %c0_i32, %c0_i32_0 : i32, i32
  }
  func.func @transform_4(%arg0: i32) -> (i32, i32) {
    %c0_i32 = arith.constant 0 : i32
    %c0_i32_0 = arith.constant 0 : i32
    %c0_i32_1 = arith.constant 0 : i32
    return %c0_i32, %c0_i32_0 : i32, i32
  }
  func.func @transform_5(%arg0: i32) -> (i32, i32) {
    %c0_i32 = arith.constant 0 : i32
    %c0_i32_0 = arith.constant 0 : i32
    %c0_i32_1 = arith.constant 0 : i32
    return %c0_i32, %c0_i32_0 : i32, i32
  }
  func.func @transform_6(%arg0: i32) -> (i32, i32) {
    %c0_i32 = arith.constant 0 : i32
    %c0_i32_0 = arith.constant 0 : i32
    %c0_i32_1 = arith.constant 0 : i32
    return %c0_i32, %c0_i32_0 : i32, i32
  }
  func.func @transform_7(%arg0: i32) -> (i32, i32) {
    %c0_i32 = arith.constant 0 : i32
    %c0_i32_0 = arith.constant 0 : i32
    return %arg0, %c0_i32 : i32, i32
  }
}

</mosaic_0001>

<sc_bundles>
// kernel: kernel.11.cloned.1.call-start
scs
__scs_entry_jumppad:
0x0: {  	(pc) =	sbr.rel $0x88, $3  }
0x1: {  	(tag) =	ssettag $0x0;
	lr =	simm.s32 $0x1  }
0x2: {  	[smem:$0x3F9B] =	sst lr;
	_ =	strace $0xD0000000  }
0x3: {  	_ = 	snop  }
0x4: {  	_ = 	snop  }
0x5: {  	_ = 	snop  }
0x6: {  	_ = 	snop  }
0x7: {  	_ = 	snop  }
__scs_overlays_trampoline_lowered:
0x8: {  	[smem:$0x3FAA] =	sst s0  }
0x9: {  	[smem:$0x3FAB] =	sst s1  }
0xa: {  	[smem:$0x3FAC] =	sst s2  }
0xb: {  	[smem:$0x3FAD] =	sst s3  }
0xc: {  	[smem:$0x3FAE] =	sst s4  }
0xd: {  	[smem:$0x3FAF] =	sst s5  }
0xe: {  	[smem:$0x3FB0] =	sst s6  }
0xf: {  	[smem:$0x3FB1] =	sst s7  }
0x10: {  	[smem:$0x3FB2] =	sst s8  }
0x11: {  	[smem:$0x3FB3] =	sst s9;
	s0 =	simm.s32 @!p0 $0x0  }
0x12: {  	s1 =	sld [smem:$0x3F99];
	s0 =	simm.s32 @p0 $0x1  }
0x13: {  	[smem:$0x3FB4] =	sst s0;
	s0 =	simm.s32 @!p1 $0x0  }
0x14: {  	s2 =	sld [smem:$0x3F98];
	s0 =	simm.s32 @p1 $0x1  }
0x15: {  	[smem:$0x3FB5] =	sst s0;
	s0 =	simm.s32 @!p2 $0x0  }
0x16: {  	s3 =	sld [smem:$0x3FDB];
	s0 =	simm.s32 @p2 $0x1  }
0x17: {  	s4 =	simm.s32 $0x1BF5;
	[smem:$0x3FB7] =	sst s0  }
0x18: {  	s0 =	sld [smem:$0x3F9A];
	_ =	swait.ge [sflag:s4], $0x0  }
0x19: {  	s7 =	sld [smem:$0x3F9B]  }
0x1a: {  	s8 =	sadd.s32 $0xFFFFE003, lr  }
0x1b: {  	s9 =	sadd.s32 $0xFFFFFEF7, lr;
	s5 =	simm.s32 $0xFFFFFFFF;
	p2 =	slt.u32 s8, $0xFFFFF086  }
0x1c: {  	p1 =	slt.u32 s9, $0xF7A;
	s5 =	simm.s32 @!p2 $0x0  }
0x1d: {  	s5 =	simm.s32 @p1 $0x1;
	p0 =	seq.s32 s7, s2  }
0x1e: {  	s7 =	smul.u32 @!p0 $0xF7A, s2;
	p2 =	seq.s32 @!p0 s5, $0x0  }
0x1f: {  	s9 =	smul.u32 $0xF7A, s1;
	s8 =	simm.s32 @!p0 $0x1BF5;
	p2 =	por !p2, p0  }
0x20: {  	[sflag:s8] =	ssyncset.s32 @!p0 $0xFFFFF086;
	s6 =	sadd.s32 @!p0 s3, s7;
	s7 =	simm.s32 @!p0 $0x108  }
0x21: {  	s3 =	sadd.s32 s3, s9;
	s6 =	sadd.s32 @!p0 $0x88, s6;
	s7 =	simm.s32 @p2 $0x1082  }
0x22: {  	[simem:s7], [sflag:s8] =	dma.local @!p0 [hbm:s6], $0xF7A  }
0x23: {  	s9 =	sor.u32 $0xD0000000, s2;
	s6 =	simm.s32 $0x108;
	_ =	swait.ge @!p0 [sflag:s8], $0x0  }
0x24: {  	s3 =	sadd.s32 $0x88, s3;
	s6 =	simm.s32 @!p1 $0x1082;
	[sflag:s4] =	ssyncset.s32 $0xFFFFF086  }
0x25: {  	[simem:s6], [sflag:s4] =	dma.local [hbm:s3], $0xF7A  }
0x26: {  	[smem:$0x3F9B] =	sst s1;
	(tag) =	ssettag s2;
	_ =	strace s9  }
0x27: {  	s1 =	sld [smem:$0x3FAB]  }
0x28: {  	s2 =	sld [smem:$0x3FAC]  }
0x29: {  	s4 =	sld [smem:$0x3FAE]  }
0x2a: {  	p0 =	seq.s32 s5, $0x0;
	s5 =	sld [smem:$0x3FAF]  }
0x2b: {  	s6 =	sld [smem:$0x3FB0]  }
0x2c: {  	s7 =	sld [smem:$0x3FB1]  }
0x2d: {  	s3 =	simm.s32 $0x108;
	s8 =	sld [smem:$0x3FB2]  }
0x2e: {  	s3 =	simm.s32 @!p0 $0x1082;
	s9 =	sld [smem:$0x3FB3]  }
0x2f: {  	lr =	sadd.s32 s0, s3;
	s0 =	sld [smem:$0x3FAA]  }
0x30: {  	s3 =	sld [smem:$0x3FAD]  }
0x31: {  	[smem:$0x3FB6] =	sst s10  }
0x32: {  	s10 =	sld [smem:$0x3FB4];
	_ =	sdelay $0x3  }
0x33: {  	p0 =	seq.s32 s10, $0x1;
	s10 =	sld [smem:$0x3FB6];
	_ =	sdelay $0x3  }
0x34: {  	[smem:$0x3FB6] =	sst s10  }
0x35: {  	s10 =	sld [smem:$0x3FB5];
	_ =	sdelay $0x3  }
0x36: {  	p1 =	seq.s32 s10, $0x1;
	s10 =	sld [smem:$0x3FB6];
	_ =	sdelay $0x3  }
0x37: {  	[smem:$0x3FB6] =	sst s10  }
0x38: {  	s10 =	sld [smem:$0x3FB7]  }
0x39: {  	_ = 	snop;
	(pc) =	sbr.ind lr, $3  }
0x3a: {  	_ = 	snop  }
0x3b: {  	_ = 	snop  }
0x3c: {  	p2 =	seq.s32 s10, $0x1;
	s10 =	sld [smem:$0x3FB6]  }
0x3d: {  	_ =	shalt  }
0x3e: {  	_ =	shalt  }
0x3f: {  	_ =	shalt  }
0x40: {  	_ =	shalt  }
0x41: {  	_ =	shalt  }
0x42: {  	_ =	shalt  }
0x43: {  	_ =	shalt  }
0x44: {  	_ =	shalt  }
0x45: {  	_ =	shalt  }
0x46: {  	_ =	shalt  }
0x47: {  	_ =	shalt  }
0x48: {  	_ =	shalt  }
0x49: {  	_ =	shalt  }
0x4a: {  	_ =	shalt  }
0x4b: {  	_ =	shalt  }
0x4c: {  	_ =	shalt  }
0x4d: {  	_ =	shalt  }
0x4e: {  	_ =	shalt  }
0x4f: {  	_ =	shalt  }
0x50: {  	_ =	shalt  }
0x51: {  	_ =	shalt  }
0x52: {  	_ =	shalt  }
0x53: {  	_ =	shalt  }
0x54: {  	_ =	shalt  }
0x55: {  	_ =	shalt  }
0x56: {  	_ =	shalt  }
0x57: {  	_ =	shalt  }
0x58: {  	_ =	shalt  }
0x59: {  	_ =	shalt  }
0x5a: {  	_ =	shalt  }
0x5b: {  	_ =	shalt  }
0x5c: {  	_ =	shalt  }
0x5d: {  	_ =	shalt  }
0x5e: {  	_ =	shalt  }
0x5f: {  	_ =	shalt  }
0x60: {  	_ =	shalt  }
0x61: {  	_ =	shalt  }
0x62: {  	_ =	shalt  }
0x63: {  	_ =	shalt  }
0x64: {  	_ =	shalt  }
0x65: {  	_ =	shalt  }
0x66: {  	_ =	shalt  }
0x67: {  	_ =	shalt  }
0x68: {  	_ =	shalt  }
0x69: {  	_ =	shalt  }
0x6a: {  	_ =	shalt  }
0x6b: {  	_ =	shalt  }
0x6c: {  	_ =	shalt  }
0x6d: {  	_ =	shalt  }
0x6e: {  	_ =	shalt  }
0x6f: {  	_ =	shalt  }
0x70: {  	_ =	shalt  }
0x71: {  	_ =	shalt  }
0x72: {  	_ =	shalt  }
0x73: {  	_ =	shalt  }
0x74: {  	_ =	shalt  }
0x75: {  	_ =	shalt  }
0x76: {  	_ =	shalt  }
0x77: {  	_ =	shalt  }
0x78: {  	_ =	shalt  }
0x79: {  	_ =	shalt  }
0x7a: {  	_ =	shalt  }
0x7b: {  	_ =	shalt  }
0x7c: {  	_ =	shalt  }
0x7d: {  	_ =	shalt  }
0x7e: {  	_ =	shalt  }
0x7f: {  	_ =	shalt  }
0x80: {  	_ =	shalt  }
0x81: {  	_ =	shalt  }
0x82: {  	_ =	shalt  }
0x83: {  	_ =	shalt  }
0x84: {  	_ =	shalt  }
0x85: {  	_ =	shalt  }
0x86: {  	_ =	shalt  }
0x87: {  	_ =	shalt  }
.Lfunc_end0:
.L_simem_size_0:
called_computation.1_lowered:
.L_overlay_start_0:
0x88: {  	s2 =	sld [smem:$0x3FD9]  }
0x89: {  	s3 =	sld [smem:$0x3FFE];
	_ =	sdelay $0x1  }
0x8a: {  	s1 =	srdreg.scid  }
0x8b: {  	s0 =	sand.u32 $0x1, s1  }
0x8c: {  	s17 =	sshll.u32 s0, $0xA;
	s2 =	sadd.s32 s3, s2  }
0x8d: {  	s2 =	sadd.s32 s2, s17  }
0x8e: {  	[smem:$0x3FC2] =	sst s2  }
0x8f: {  	_ = 	snop  }
0x90: {  	(tm) =	ssettm $0x1  }
0x91: {  	s18 =	sld [smem:$0x3FFB];
	_ =	sdelay $0x3  }
0x92: {  	_ =	strace s18  }
0x93: {  	s2 =	sld [smem:$0x3FFC];
	_ =	sdelay $0x3  }
0x94: {  	_ =	strace s2  }
0x95: {  	s2 =	sld [smem:$0x3FFD];
	_ =	sdelay $0x3  }
0x96: {  	_ =	strace s2  }
0x97: {  	_ =	strace $0x8FFFFFFF  }
0x98: {  	s19 =	sld [smem:$0x3FDB];
	_ =	sdelay $0x1  }
0x99: {  	s20 =	simm.s32 $_scs_section_size  }
0x9a: {  	s4 =	simm.s32 $_size__tile_overlayer_lowered;
	s5 =	simm.s32 $_tile_overlayer_lowered  }
0x9b: {  	s6 =	simm.s32 $0x1BFF;
	s21 =	sshll.u32 s5, $0x1;
	s3 =	sadd.s32 s20, s19  }
0x9c: {  	s22 =	simm.s32 $0x0;
	s4 =	sshll.u32 s4, $0x1;
	s5 =	sadd.s32 s21, s3  }
0x9d: {  	[timem:s22], [sflag:s6] =	dma.local [hbm:s5], s4  }
0x9e: {  	_ =	swait.ge [sflag:s6], s4  }
0x9f: {  	s4 =	ssub.s32 $0x0, s4;
	[sflag:s6] =	ssyncset.done $0x0  }
0xa0: {  	[sflag:s6] =	ssyncadd.s32 s4;
	_ =	sdelay $0x1  }
0xa1: {  	s23 =	simm.s32 $0x1B8B  }
0xa2: {  	_ =	swait.ge [sflag:s23], $0x1  }
0xa3: {  	[sflag:s23] =	ssyncset.done $0x0  }
0xa4: {  	[sflag:s23] =	ssyncadd.s32 $0xFFFFFFFF  }
0xa5: {  	s4 =	sld [smem:$0x0]  }
0xa6: {  	s5 =	sand.u32 $0xFFFFFFFE, s1  }
0xa7: {  	p0 =	sne.s32 s1, s5  }
0xa8: {  	s5 =	sshll.u32 @p0 s5, $0xE  }
0xa9: {  	s5 =	sadd.s32 @p0 $0x11B8D, s5;
	s6 =	sshll.u32 @p0 s4, $0x11  }
0xaa: {  	s5 =	sor.u32 @p0 s6, s5  }
0xab: {  	[sflag:s5] =	ssyncadd.remote.s32 @p0 $0x1;
	_ =	sdelay $0x1  }
0xac: {  	s5 =	simm.s32 @p0 $0x1B8D  }
0xad: {  	_ =	swait.eq @p0 [sflag:s5], $0x1  }
0xae: {  	[sflag:s5] =	ssyncadd.s32 @p0 $0xFFFFFFFF  }
0xaf: {  	s6 =	sshll.u32 @!p0 s1, $0xE  }
0xb0: {  	s6 =	sor.u32 @!p0 $0x4000, s6;
	s5 =	simm.s32 @!p0 $0x1B8D  }
0xb1: {  	s4 =	sshll.u32 @!p0 s4, $0x11;
	s6 =	sadd.s32 @!p0 $0x11B8D, s6;
	_ =	swait.eq @!p0 [sflag:s5], $0x1  }
0xb2: {  	s4 =	sor.u32 @!p0 s4, s6;
	[sflag:s5] =	ssyncadd.s32 @!p0 $0xFFFFFFFF  }
0xb3: {  	s25 =	simm.s32 $0x1B8E;
	s24 =	sld [smem:$0x3FFE];
	[sflag:s4] =	ssyncadd.remote.s32 @!p0 $0x1  }
0xb4: {  	s26 =	simm.s32 $execute0_lowered;
	[smem:$0x3FD2] =	sst s25  }
0xb5: {  	s5 =	sshll.u32 s26, $0x1;
	_ =	strace $0x80000049;
	[dreg:$0x1] =	wrdreg $0xFFFFFFFF  }
0xb6: {  	s28 =	simm.s32 $_size_execute0_lowered;
	s3 =	sadd.s32 s3, s5;
	[dreg:$0x0] =	wrdreg $0x0  }
0xb7: {  	s5 =	sshll.u32 s28, $0x1;
	[dreg:$0x2] =	wrdreg s3  }
0xb8: {  	[dreg:$0x3] =	wrdreg s5  }
0xb9: {  	[dreg:$0x4] =	wrdreg $0xC0  }
0xba: {  	_ =	task [dreg:s22], $0x5FFFF  }
0xbb: {  	[dreg:$0x1] =	wrdreg $0xFFFFFFFF  }
0xbc: {  	[dreg:$0x0] =	wrdreg $0x60  }
0xbd: {  	[dreg:$0x2] =	wrdreg s24  }
0xbe: {  	[dreg:$0x3] =	wrdreg $0xA  }
0xbf: {  	_ =	task.clear_ibuf [dreg:s22], $0x4FFFF;
	_ =	strace $0x90000049  }
0xc0: {  	s29 =	simm.s32 $0xA;
	_ =	strace $0x8000004B  }
0xc1: {  	_ =	swait.ge [sflag:s29], $0x1  }
0xc2: {  	[sflag:s29] =	ssyncadd.s32 $0xFFFFFFFF  }
0xc3: {  	_ =	strace $0x9000004B  }
0xc4: {  	_ =	sfence  }
0xc5: {  	s30 =	sld [smem:$0x0];
	_ =	sdelay $0x2  }
0xc6: {  	s31 =	sshll.u32 s1, $0xD;
	s1 =	sshrl.u32 s1, $0x2  }
0xc7: {  	s4 =	sand.u32 $0x4000, s31;
	s1 =	sadd.s32 s1, s30  }
0xc8: {  	s0 =	sor.u32 s4, s0;
	s1 =	sshll.u32 s1, $0x11  }
0xc9: {  	s0 =	sor.u32 s1, s0  }
0xca: {  	s0 =	sadd.s32 $0x8F2B, s0  }
0xcb: {  	[sflag:s0] =	ssyncadd.remote.s32 $0x1  }
0xcc: {  	_ =	sfence.sel $0xFFFF  }
0xcd: {  	[dreg:$0x0] =	wrdreg $0xFFFFFFFF;
	(pc) =	sbr.abs _section_cstart, $3  }
0xce: {  	[dreg:$0x1] =	wrdreg $0xFFFFFFFF  }
0xcf: {  	_ =	task.clear_ibuf [dreg:s22], $0x2FFFF;
	_ =	strace $0x9FFFFFFF  }
0xd0: {  	(tm) =	ssettm $0x7FFFFFFF  }
0xd1: {  	_ =	shalt  }
tec
execute0_lowered:
.L_overlay_start_1:
0x0: {  	(tag) =	ssettag $0x1  }
0x1: {  	s4 =	rddreg [dreg:$0x0]  }
0x2: {  	s0 =	rddreg [dreg:$0x1];
	s2 =	simm.s32 $0x0;
	s3 =	srdreg.scid  }
0x3: {  	s1 =	stileid.u32;
	s10 =	simm.s32 $0x1;
	s11 =	simm.s32 $0x0  }
0x4: {  	[smem:$0x7FF] =	sst s2;
	s5 =	sand.u32 $0x1, s3;
	s6 =	sshll.u32 s1, $0xA  }
0x5: {  	s3 =	sadd.s32 $0x1C00, s4;
	s8 =	sshll.u32 s1, $0x11;
	_ =	strace $0x8000004A  }
0x6: {  	s7 =	sshll.u32 s5, $0x9;
	s29 =	ssub.s32 $0x2, s5;
	s8 =	sadd.s32 s8, s4  }
0x7: {  	s30 =	sshll.u32 s5, $0x10;
	s6 =	sor.u32 s7, s6;
	s9 =	sshrl.u32 s29, $0x1  }
0x8: {  	s31 =	sadd.s32 s30, s8;
	s8 =	simm.s32 $0x80;
	s6 =	sadd.s32 s6, s4  }
0x9: {  	s7 =	ssub.s32 s29, s9;
	s9 =	simm.s32 $0x1000;
	s4 =	sadd.s32 $0x225C00, s6  }
0xa: {  	s5 =	smax.u32 s7, $0x1;
	s6 =	sadd.s32 $0x229C00, s31;
	s7 =	simm.s32 $0x2  }
.LBB2_1:
0xb: {  	[tilespmem:s2], [sflag:$0x2] =	stream.linear.gather [hbm4b:s4+s2], $0x1000, $0x38;
	[tilespmem:$0x5000] =	vst v63  }
0xc: {  	_ =	swait.ge [sflag:s7], $0x1000  }
0xd: {  	[sflag:s7] =	ssyncset.done $0x0  }
0xe: {  	s12 =	simm.s32 $0x0;
	[sflag:s7] =	ssyncadd.s32 $0xFFFFF000  }
0xf: {  	[tilespmem:s9], [sflag:$0x1] =	stream.indirect.gather [hbm4b:s3+s8], $0x80, s12, s8, $0xb8;
	[tilespmem:$0x5000] =	vst v63  }
0x10: {  	_ =	swait.ge [sflag:s10], $0x4000  }
0x11: {  	[sflag:s10] =	ssyncset.done $0x0  }
0x12: {  	[sflag:s10] =	ssyncadd.s32 $0xFFFFC000  }
0x13: {  	[hbm4b:s6+s2] =	stream.linear.scatter [tilespmem:s9], [sflag:$0x2], $0x4000, $0x38;
	[tilespmem:$0x5000] =	vst v63  }
0x14: {  	s13 =	simm.s32 $0x200;
	_ =	swait.ge [sflag:s7], $0x4000  }
0x15: {  	s14 =	simm.s32 $0x400;
	s12 =	sadd.s32 $0x800, s6;
	[sflag:s7] =	ssyncset.done $0x0  }
.LBB2_2:
0x16: {  	s15 =	sshra.s32 s13, $0x2  }
0x17: {  	[sflag:s7] =	ssyncadd.s32 $0xFFFFC000;
	s13 =	smov.u32 s14;
	s16 =	sadd.s32 $0x200, s14  }
0x18: {  	[tilespmem:s9], [sflag:$0x1] =	stream.indirect.gather [hbm4b:s3+s8], $0x80, s15, s8, $0xb8;
	[tilespmem:$0x5000] =	vst v63  }
0x19: {  	p0 =	sne.s32 s14, $0x3E00;
	_ =	swait.ge [sflag:s10], $0x4000  }
.Ltmp0:
0x1a: {  	[sflag:s10] =	ssyncset.done $0x0;
	(pc) =	sbr.rel @p0 .LBB2_2-.Ltmp0, $4  }
0x1b: {  	[sflag:s10] =	ssyncadd.s32 $0xFFFFC000  }
0x1c: {  	[hbm4b:s12+s2] =	stream.linear.scatter [tilespmem:s9], [sflag:$0x2], $0x4000, $0x38;
	[tilespmem:$0x5000] =	vst v63  }
0x1d: {  	_ =	swait.ge [sflag:s7], $0x4000  }
0x1e: {  	s14 =	smov.u32 s16;
	s12 =	sadd.s32 $0x800, s12;
	[sflag:s7] =	ssyncset.done $0x0  }
0x1f: {  	s13 =	sshra.s32 s13, $0x2;
	[sflag:s7] =	ssyncadd.s32 $0xFFFFC000  }
0x20: {  	[tilespmem:s9], [sflag:$0x1] =	stream.indirect.gather [hbm4b:s3+s8], $0x80, s13, s8, $0xb8;
	[tilespmem:$0x5000] =	vst v63  }
0x21: {  	s11 =	sadd.s32 $0x1, s11;
	_ =	swait.ge [sflag:s10], $0x4000  }
0x22: {  	p0 =	sne.s32 s11, s5;
	[sflag:s10] =	ssyncset.done $0x0  }
.Ltmp1:
0x23: {  	[sflag:s10] =	ssyncadd.s32 $0xFFFFC000;
	(pc) =	sbr.rel @p0 .LBB2_1-.Ltmp1, $4  }
0x24: {  	[hbm4b:s12+s2] =	stream.linear.scatter [tilespmem:s9], [sflag:$0x2], $0x4000, $0x38;
	[tilespmem:$0x5000] =	vst v63  }
0x25: {  	_ =	swait.ge [sflag:s7], $0x4000  }
0x26: {  	[sflag:s7] =	ssyncset.done $0x0  }
0x27: {  	[sflag:s7] =	ssyncadd.s32 $0xFFFFC000  }
0x28: {  	_ =	sfence.sel $0x180000  }
0x29: {  	[bflag:$0x0] =	sbarrier.arrive $0xFFFF  }
0x2a: {  	p0 =	sne.s32 s1, $0x0;
	_ =	strace $0x9000004A  }
0x2b: {  	s0 =	sadd.s32 @!p0 $0x100000, s0;
	[bflag:$0x2] =	sbarrier.arrive $0xFFFF  }
0x2c: {  	[sflag:s0] =	ssyncadd.tile.s32 @!p0 $0x1;
	_ =	shalt  }
.Lfunc_end2:
_tile_overlayer_lowered:
.L_overlay_start_2:
0x2d: {  	(tag) =	ssettag $0x2  }
0x2e: {  	s0 =	rddreg [dreg:$0x0];
	s2 =	stileid.u32  }
0x2f: {  	s1 =	rddreg [dreg:$0x1];
	p0 =	sne.s32 s2, $0x0  }
0x30: {  	s3 =	rddreg [dreg:$0x2];
	[bflag:$0x3] =	sbarrier.arrive $0xFFFF;
	s2 =	simm.s32 @!p0 $0x1C02  }
0x31: {  	[timem:s3], [sflag:s2] =	dma.local @!p0 [hbm:s0], s1  }
0x32: {  	s0 =	simm.s32 @!p0 $0x2  }
0x33: {  	_ =	swait.ge @!p0 [sflag:s0], s1  }
0x34: {  	s1 =	ssub.s32 @!p0 $0x0, s1;
	[sflag:s0] =	ssyncset.done @!p0 $0x0  }
0x35: {  	[sflag:s0] =	ssyncadd.s32 @!p0 s1  }
0x36: {  	[bflag:$0x3] =	sbarrier.arrive $0xFFFF  }
0x37: {  	_ =	shalt  }

// kernel: kernel.8.cloned.1.call-start
scs
__scs_entry_jumppad:
0x0: {  	(pc) =	sbr.rel $0x88, $3  }
0x1: {  	(tag) =	ssettag $0x0;
	lr =	simm.s32 $0x1  }
0x2: {  	[smem:$0x3F9B] =	sst lr;
	_ =	strace $0xD0000000  }
0x3: {  	_ = 	snop  }
0x4: {  	_ = 	snop  }
0x5: {  	_ = 	snop  }
0x6: {  	_ = 	snop  }
0x7: {  	_ = 	snop  }
__scs_overlays_trampoline_lowered:
0x8: {  	[smem:$0x3FAA] =	sst s0  }
0x9: {  	[smem:$0x3FAB] =	sst s1  }
0xa: {  	[smem:$0x3FAC] =	sst s2  }
0xb: {  	[smem:$0x3FAD] =	sst s3  }
0xc: {  	[smem:$0x3FAE] =	sst s4  }
0xd: {  	[smem:$0x3FAF] =	sst s5  }
0xe: {  	[smem:$0x3FB0] =	sst s6  }
0xf: {  	[smem:$0x3FB1] =	sst s7  }
0x10: {  	[smem:$0x3FB2] =	sst s8  }
0x11: {  	[smem:$0x3FB3] =	sst s9;
	s0 =	simm.s32 @!p0 $0x0  }
0x12: {  	s1 =	sld [smem:$0x3F99];
	s0 =	simm.s32 @p0 $0x1  }
0x13: {  	[smem:$0x3FB4] =	sst s0;
	s0 =	simm.s32 @!p1 $0x0  }
0x14: {  	s2 =	sld [smem:$0x3F98];
	s0 =	simm.s32 @p1 $0x1  }
0x15: {  	[smem:$0x3FB5] =	sst s0;
	s0 =	simm.s32 @!p2 $0x0  }
0x16: {  	s3 =	sld [smem:$0x3FDB];
	s0 =	simm.s32 @p2 $0x1  }
0x17: {  	s4 =	simm.s32 $0x1BF5;
	[smem:$0x3FB7] =	sst s0  }
0x18: {  	s0 =	sld [smem:$0x3F9A];
	_ =	swait.ge [sflag:s4], $0x0  }
0x19: {  	s7 =	sld [smem:$0x3F9B]  }
0x1a: {  	s8 =	sadd.s32 $0xFFFFE003, lr  }
0x1b: {  	s9 =	sadd.s32 $0xFFFFFEF7, lr;
	s5 =	simm.s32 $0xFFFFFFFF;
	p2 =	slt.u32 s8, $0xFFFFF086  }
0x1c: {  	p1 =	slt.u32 s9, $0xF7A;
	s5 =	simm.s32 @!p2 $0x0  }
0x1d: {  	s5 =	simm.s32 @p1 $0x1;
	p0 =	seq.s32 s7, s2  }
0x1e: {  	s7 =	smul.u32 @!p0 $0xF7A, s2;
	p2 =	seq.s32 @!p0 s5, $0x0  }
0x1f: {  	s9 =	smul.u32 $0xF7A, s1;
	s8 =	simm.s32 @!p0 $0x1BF5;
	p2 =	por !p2, p0  }
0x20: {  	[sflag:s8] =	ssyncset.s32 @!p0 $0xFFFFF086;
	s6 =	sadd.s32 @!p0 s3, s7;
	s7 =	simm.s32 @!p0 $0x108  }
0x21: {  	s3 =	sadd.s32 s3, s9;
	s6 =	sadd.s32 @!p0 $0x88, s6;
	s7 =	simm.s32 @p2 $0x1082  }
0x22: {  	[simem:s7], [sflag:s8] =	dma.local @!p0 [hbm:s6], $0xF7A  }
0x23: {  	s9 =	sor.u32 $0xD0000000, s2;
	s6 =	simm.s32 $0x108;
	_ =	swait.ge @!p0 [sflag:s8], $0x0  }
0x24: {  	s3 =	sadd.s32 $0x88, s3;
	s6 =	simm.s32 @!p1 $0x1082;
	[sflag:s4] =	ssyncset.s32 $0xFFFFF086  }
0x25: {  	[simem:s6], [sflag:s4] =	dma.local [hbm:s3], $0xF7A  }
0x26: {  	[smem:$0x3F9B] =	sst s1;
	(tag) =	ssettag s2;
	_ =	strace s9  }
0x27: {  	s1 =	sld [smem:$0x3FAB]  }
0x28: {  	s2 =	sld [smem:$0x3FAC]  }
0x29: {  	s4 =	sld [smem:$0x3FAE]  }
0x2a: {  	p0 =	seq.s32 s5, $0x0;
	s5 =	sld [smem:$0x3FAF]  }
0x2b: {  	s6 =	sld [smem:$0x3FB0]  }
0x2c: {  	s7 =	sld [smem:$0x3FB1]  }
0x2d: {  	s3 =	simm.s32 $0x108;
	s8 =	sld [smem:$0x3FB2]  }
0x2e: {  	s3 =	simm.s32 @!p0 $0x1082;
	s9 =	sld [smem:$0x3FB3]  }
0x2f: {  	lr =	sadd.s32 s0, s3;
	s0 =	sld [smem:$0x3FAA]  }
0x30: {  	s3 =	sld [smem:$0x3FAD]  }
0x31: {  	[smem:$0x3FB6] =	sst s10  }
0x32: {  	s10 =	sld [smem:$0x3FB4];
	_ =	sdelay $0x3  }
0x33: {  	p0 =	seq.s32 s10, $0x1;
	s10 =	sld [smem:$0x3FB6];
	_ =	sdelay $0x3  }
0x34: {  	[smem:$0x3FB6] =	sst s10  }
0x35: {  	s10 =	sld [smem:$0x3FB5];
	_ =	sdelay $0x3  }
0x36: {  	p1 =	seq.s32 s10, $0x1;
	s10 =	sld [smem:$0x3FB6];
	_ =	sdelay $0x3  }
0x37: {  	[smem:$0x3FB6] =	sst s10  }
0x38: {  	s10 =	sld [smem:$0x3FB7]  }
0x39: {  	_ = 	snop;
	(pc) =	sbr.ind lr, $3  }
0x3a: {  	_ = 	snop  }
0x3b: {  	_ = 	snop  }
0x3c: {  	p2 =	seq.s32 s10, $0x1;
	s10 =	sld [smem:$0x3FB6]  }
0x3d: {  	_ =	shalt  }
0x3e: {  	_ =	shalt  }
0x3f: {  	_ =	shalt  }
0x40: {  	_ =	shalt  }
0x41: {  	_ =	shalt  }
0x42: {  	_ =	shalt  }
0x43: {  	_ =	shalt  }
0x44: {  	_ =	shalt  }
0x45: {  	_ =	shalt  }
0x46: {  	_ =	shalt  }
0x47: {  	_ =	shalt  }
0x48: {  	_ =	shalt  }
0x49: {  	_ =	shalt  }
0x4a: {  	_ =	shalt  }
0x4b: {  	_ =	shalt  }
0x4c: {  	_ =	shalt  }
0x4d: {  	_ =	shalt  }
0x4e: {  	_ =	shalt  }
0x4f: {  	_ =	shalt  }
0x50: {  	_ =	shalt  }
0x51: {  	_ =	shalt  }
0x52: {  	_ =	shalt  }
0x53: {  	_ =	shalt  }
0x54: {  	_ =	shalt  }
0x55: {  	_ =	shalt  }
0x56: {  	_ =	shalt  }
0x57: {  	_ =	shalt  }
0x58: {  	_ =	shalt  }
0x59: {  	_ =	shalt  }
0x5a: {  	_ =	shalt  }
0x5b: {  	_ =	shalt  }
0x5c: {  	_ =	shalt  }
0x5d: {  	_ =	shalt  }
0x5e: {  	_ =	shalt  }
0x5f: {  	_ =	shalt  }
0x60: {  	_ =	shalt  }
0x61: {  	_ =	shalt  }
0x62: {  	_ =	shalt  }
0x63: {  	_ =	shalt  }
0x64: {  	_ =	shalt  }
0x65: {  	_ =	shalt  }
0x66: {  	_ =	shalt  }
0x67: {  	_ =	shalt  }
0x68: {  	_ =	shalt  }
0x69: {  	_ =	shalt  }
0x6a: {  	_ =	shalt  }
0x6b: {  	_ =	shalt  }
0x6c: {  	_ =	shalt  }
0x6d: {  	_ =	shalt  }
0x6e: {  	_ =	shalt  }
0x6f: {  	_ =	shalt  }
0x70: {  	_ =	shalt  }
0x71: {  	_ =	shalt  }
0x72: {  	_ =	shalt  }
0x73: {  	_ =	shalt  }
0x74: {  	_ =	shalt  }
0x75: {  	_ =	shalt  }
0x76: {  	_ =	shalt  }
0x77: {  	_ =	shalt  }
0x78: {  	_ =	shalt  }
0x79: {  	_ =	shalt  }
0x7a: {  	_ =	shalt  }
0x7b: {  	_ =	shalt  }
0x7c: {  	_ =	shalt  }
0x7d: {  	_ =	shalt  }
0x7e: {  	_ =	shalt  }
0x7f: {  	_ =	shalt  }
0x80: {  	_ =	shalt  }
0x81: {  	_ =	shalt  }
0x82: {  	_ =	shalt  }
0x83: {  	_ =	shalt  }
0x84: {  	_ =	shalt  }
0x85: {  	_ =	shalt  }
0x86: {  	_ =	shalt  }
0x87: {  	_ =	shalt  }
.Lfunc_end0:
.L_simem_size_0:
called_computation_lowered:
.L_overlay_start_0:
0x88: {  	s2 =	sld [smem:$0x3FD9]  }
0x89: {  	s3 =	sld [smem:$0x3FFE];
	_ =	sdelay $0x1  }
0x8a: {  	s1 =	srdreg.scid  }
0x8b: {  	s0 =	sand.u32 $0x1, s1  }
0x8c: {  	s17 =	sshll.u32 s0, $0xA;
	s2 =	sadd.s32 s3, s2  }
0x8d: {  	s2 =	sadd.s32 s2, s17  }
0x8e: {  	[smem:$0x3FC2] =	sst s2  }
0x8f: {  	_ = 	snop  }
0x90: {  	s2 =	sld [smem:$0x3FD0];
	(tm) =	ssettm $0x1  }
0x91: {  	s18 =	sld [smem:$0x3FFB];
	_ =	sdelay $0x3  }
0x92: {  	_ =	strace s18  }
0x93: {  	s3 =	sld [smem:$0x3FFC];
	_ =	sdelay $0x3  }
0x94: {  	_ =	strace s3  }
0x95: {  	s3 =	sld [smem:$0x3FFD];
	_ =	sdelay $0x3  }
0x96: {  	_ =	strace s3  }
0x97: {  	_ =	strace $0x8FFFFFFF  }
0x98: {  	s19 =	sld [smem:$0x3FDB];
	_ =	sdelay $0x1  }
0x99: {  	s4 =	simm.s32 $_scs_section_size  }
0x9a: {  	s5 =	simm.s32 $_size__tile_overlayer_lowered;
	s6 =	simm.s32 $_tile_overlayer_lowered  }
0x9b: {  	s22 =	simm.s32 $0x1BFF;
	s21 =	sshll.u32 s6, $0x1;
	s3 =	sadd.s32 s4, s19  }
0x9c: {  	s7 =	simm.s32 $0x0;
	s20 =	sshll.u32 s5, $0x1;
	s5 =	sadd.s32 s21, s3  }
0x9d: {  	[timem:s7], [sflag:s22] =	dma.local [hbm:s5], s20  }
0x9e: {  	_ =	swait.ge [sflag:s22], s20  }
0x9f: {  	s4 =	ssub.s32 $0x0, s20;
	[sflag:s22] =	ssyncset.done $0x0  }
0xa0: {  	[sflag:s22] =	ssyncadd.s32 s4;
	_ =	sdelay $0x1  }
0xa1: {  	s23 =	simm.s32 $0x1B8B  }
0xa2: {  	_ =	swait.ge [sflag:s23], $0x1  }
0xa3: {  	[sflag:s23] =	ssyncset.done $0x0  }
0xa4: {  	s25 =	simm.s32 $0x1B8E;
	s24 =	sld [smem:$0x3FFE];
	[sflag:s23] =	ssyncadd.s32 $0xFFFFFFFF  }
0xa5: {  	s26 =	simm.s32 $execute0_lowered;
	[smem:$0x3FD2] =	sst s25  }
0xa6: {  	s5 =	sshll.u32 s26, $0x1;
	_ =	strace $0x80000046;
	[dreg:$0x1] =	wrdreg $0xFFFFFFFF  }
0xa7: {  	s28 =	simm.s32 $_size_execute0_lowered;
	s3 =	sadd.s32 s3, s5;
	[dreg:$0x0] =	wrdreg $0x0  }
0xa8: {  	s5 =	sshll.u32 s28, $0x1;
	[dreg:$0x2] =	wrdreg s3  }
0xa9: {  	[dreg:$0x3] =	wrdreg s5  }
0xaa: {  	[dreg:$0x4] =	wrdreg $0xC0  }
0xab: {  	_ =	task [dreg:s7], $0x5FFFF  }
0xac: {  	[dreg:$0x1] =	wrdreg $0xFFFFFFFF  }
0xad: {  	[dreg:$0x0] =	wrdreg $0x60  }
0xae: {  	[dreg:$0x2] =	wrdreg s2  }
0xaf: {  	[dreg:$0x3] =	wrdreg s24  }
0xb0: {  	[dreg:$0x4] =	wrdreg $0x9  }
0xb1: {  	_ =	task.clear_ibuf [dreg:s7], $0x5FFFF;
	_ =	strace $0x90000046  }
0xb2: {  	s29 =	simm.s32 $0x9;
	_ =	strace $0x80000048  }
0xb3: {  	_ =	swait.ge [sflag:s29], $0x1  }
0xb4: {  	[sflag:s29] =	ssyncadd.s32 $0xFFFFFFFF  }
0xb5: {  	_ =	strace $0x90000048  }
0xb6: {  	_ =	sfence  }
0xb7: {  	s30 =	sld [smem:$0x0];
	_ =	sdelay $0x2  }
0xb8: {  	s31 =	sshll.u32 s1, $0xD;
	s1 =	sshrl.u32 s1, $0x2  }
0xb9: {  	s3 =	sand.u32 $0x4000, s31;
	s1 =	sadd.s32 s1, s30  }
0xba: {  	s0 =	sor.u32 s3, s0;
	s1 =	sshll.u32 s1, $0x11  }
0xbb: {  	s0 =	sor.u32 s1, s0  }
0xbc: {  	s0 =	sadd.s32 $0x8F2B, s0  }
0xbd: {  	[sflag:s0] =	ssyncadd.remote.s32 $0x1  }
0xbe: {  	_ =	sfence.sel $0xFFFF  }
0xbf: {  	[dreg:$0x0] =	wrdreg $0xFFFFFFFF;
	(pc) =	sbr.abs _section_cstart, $3  }
0xc0: {  	[dreg:$0x1] =	wrdreg $0xFFFFFFFF  }
0xc1: {  	_ =	task.clear_ibuf [dreg:s7], $0x2FFFF;
	_ =	strace $0x9FFFFFFF  }
0xc2: {  	(tm) =	ssettm $0x7FFFFFFF  }
0xc3: {  	_ =	shalt  }
tec
execute0_lowered:
.L_overlay_start_1:
0x0: {  	(tag) =	ssettag $0x1  }
0x1: {  	s1 =	rddreg [dreg:$0x0]  }
0x2: {  	s4 =	rddreg [dreg:$0x1]  }
0x3: {  	s0 =	rddreg [dreg:$0x2];
	s5 =	srdreg.scid  }
0x4: {  	s3 =	simm.s32 $0x0;
	s2 =	stileid.u32;
	s10 =	simm.s32 $0x1  }
0x5: {  	s11 =	simm.s32 $0x0;
	s5 =	sand.u32 $0x1, s5;
	[smem:$0x7FF] =	sst s3  }
0x6: {  	s6 =	sshll.u32 s2, $0xA;
	s8 =	sshll.u32 s2, $0x11;
	s7 =	sshll.u32 s5, $0x9  }
0x7: {  	_ =	strace $0x80000047;
	s29 =	ssub.s32 $0x2, s5;
	s8 =	sadd.s32 s8, s4  }
0x8: {  	s30 =	sshll.u32 s5, $0x10;
	s6 =	sor.u32 s7, s6;
	s9 =	sshrl.u32 s29, $0x1  }
0x9: {  	s31 =	sadd.s32 s30, s8;
	s8 =	simm.s32 $0x80;
	s6 =	sadd.s32 s6, s4  }
0xa: {  	s7 =	ssub.s32 s29, s9;
	s9 =	simm.s32 $0x1000;
	s4 =	sadd.s32 $0x21C00, s6  }
0xb: {  	s5 =	smax.u32 s7, $0x1;
	s6 =	sadd.s32 $0x25C00, s31;
	s7 =	simm.s32 $0x2  }
.LBB2_1:
0xc: {  	[tilespmem:s3], [sflag:$0x2] =	stream.linear.gather [hbm4b:s4+s3], $0x1000, $0x38;
	[tilespmem:$0x5000] =	vst v63  }
0xd: {  	_ =	swait.ge [sflag:s7], $0x1000  }
0xe: {  	[sflag:s7] =	ssyncset.done $0x0  }
0xf: {  	s12 =	simm.s32 $0x0;
	[sflag:s7] =	ssyncadd.s32 $0xFFFFF000  }
0x10: {  	[tilespmem:s9], [sflag:$0x1] =	stream.indirect.gather [hbm4b:s1+s8], $0x80, s12, s8, $0xb8;
	[tilespmem:$0x5000] =	vst v63  }
0x11: {  	_ =	swait.ge [sflag:s10], $0x4000  }
0x12: {  	[sflag:s10] =	ssyncset.done $0x0  }
0x13: {  	[sflag:s10] =	ssyncadd.s32 $0xFFFFC000  }
0x14: {  	[hbm4b:s6+s3] =	stream.linear.scatter [tilespmem:s9], [sflag:$0x2], $0x4000, $0x38;
	[tilespmem:$0x5000] =	vst v63  }
0x15: {  	s13 =	simm.s32 $0x200;
	_ =	swait.ge [sflag:s7], $0x4000  }
0x16: {  	s14 =	simm.s32 $0x400;
	s12 =	sadd.s32 $0x800, s6;
	[sflag:s7] =	ssyncset.done $0x0  }
.LBB2_2:
0x17: {  	s15 =	sshra.s32 s13, $0x2  }
0x18: {  	[sflag:s7] =	ssyncadd.s32 $0xFFFFC000;
	s13 =	smov.u32 s14;
	s16 =	sadd.s32 $0x200, s14  }
0x19: {  	[tilespmem:s9], [sflag:$0x1] =	stream.indirect.gather [hbm4b:s1+s8], $0x80, s15, s8, $0xb8;
	[tilespmem:$0x5000] =	vst v63  }
0x1a: {  	p0 =	sne.s32 s14, $0x3E00;
	_ =	swait.ge [sflag:s10], $0x4000  }
.Ltmp0:
0x1b: {  	[sflag:s10] =	ssyncset.done $0x0;
	(pc) =	sbr.rel @p0 .LBB2_2-.Ltmp0, $4  }
0x1c: {  	[sflag:s10] =	ssyncadd.s32 $0xFFFFC000  }
0x1d: {  	[hbm4b:s12+s3] =	stream.linear.scatter [tilespmem:s9], [sflag:$0x2], $0x4000, $0x38;
	[tilespmem:$0x5000] =	vst v63  }
0x1e: {  	_ =	swait.ge [sflag:s7], $0x4000  }
0x1f: {  	s14 =	smov.u32 s16;
	s12 =	sadd.s32 $0x800, s12;
	[sflag:s7] =	ssyncset.done $0x0  }
0x20: {  	s13 =	sshra.s32 s13, $0x2;
	[sflag:s7] =	ssyncadd.s32 $0xFFFFC000  }
0x21: {  	[tilespmem:s9], [sflag:$0x1] =	stream.indirect.gather [hbm4b:s1+s8], $0x80, s13, s8, $0xb8;
	[tilespmem:$0x5000] =	vst v63  }
0x22: {  	s11 =	sadd.s32 $0x1, s11;
	_ =	swait.ge [sflag:s10], $0x4000  }
0x23: {  	p0 =	sne.s32 s11, s5;
	[sflag:s10] =	ssyncset.done $0x0  }
.Ltmp1:
0x24: {  	[sflag:s10] =	ssyncadd.s32 $0xFFFFC000;
	(pc) =	sbr.rel @p0 .LBB2_1-.Ltmp1, $4  }
0x25: {  	[hbm4b:s12+s3] =	stream.linear.scatter [tilespmem:s9], [sflag:$0x2], $0x4000, $0x38;
	[tilespmem:$0x5000] =	vst v63  }
0x26: {  	_ =	swait.ge [sflag:s7], $0x4000  }
0x27: {  	[sflag:s7] =	ssyncset.done $0x0  }
0x28: {  	[sflag:s7] =	ssyncadd.s32 $0xFFFFC000  }
0x29: {  	_ =	sfence.sel $0x180000  }
0x2a: {  	[bflag:$0x0] =	sbarrier.arrive $0xFFFF  }
0x2b: {  	p0 =	sne.s32 s2, $0x0;
	_ =	strace $0x90000047  }
0x2c: {  	s0 =	sadd.s32 @!p0 $0x100000, s0;
	[bflag:$0x2] =	sbarrier.arrive $0xFFFF  }
0x2d: {  	[sflag:s0] =	ssyncadd.tile.s32 @!p0 $0x1;
	_ =	shalt  }
.Lfunc_end2:
_tile_overlayer_lowered:
.L_overlay_start_2:
0x2e: {  	(tag) =	ssettag $0x2  }
0x2f: {  	s0 =	rddreg [dreg:$0x0];
	s2 =	stileid.u32  }
0x30: {  	s1 =	rddreg [dreg:$0x1];
	p0 =	sne.s32 s2, $0x0  }
0x31: {  	s3 =	rddreg [dreg:$0x2];
	[bflag:$0x3] =	sbarrier.arrive $0xFFFF;
	s2 =	simm.s32 @!p0 $0x1C02  }
0x32: {  	[timem:s3], [sflag:s2] =	dma.local @!p0 [hbm:s0], s1  }
0x33: {  	s0 =	simm.s32 @!p0 $0x2  }
0x34: {  	_ =	swait.ge @!p0 [sflag:s0], s1  }
0x35: {  	s1 =	ssub.s32 @!p0 $0x0, s1;
	[sflag:s0] =	ssyncset.done @!p0 $0x0  }
0x36: {  	[sflag:s0] =	ssyncadd.s32 @!p0 s1  }
0x37: {  	[bflag:$0x3] =	sbarrier.arrive $0xFFFF  }
0x38: {  	_ =	shalt  }

</sc_bundles>
